<compile_context>
chip_gen: v7x
topology: tpu7x:2x2x1
jax: 0.10.2.dev20260603
libtpu: 0.0.44.dev20260713+nightly
codegen_flags: <defaults>
</compile_context>

<pallas_src>
import functools

import jax
import jax.numpy as jnp
from jax import lax
from jax.experimental import pallas as pl
from jax.experimental.pallas import tpu as pltpu
from jax.experimental.pallas import tpu_sc as plsc

NVOCAB = 1000000
EMBD = 64
NTOKENS = 200
BATCH = 4096

NC, NS, LANES = 2, 16, 16
NW = NC * NS
ROWS = BATCH * NTOKENS
ROWS_PER_W = ROWS // NW
CHUNK = NTOKENS
NCHUNKS = ROWS_PER_W // CHUNK
NBUF = 2
NOUTER = NCHUNKS // NBUF
IDX_MINOR = 100
IDX_ROWS_PER_CHUNK = CHUNK // IDX_MINOR


def _sc_body(tokens_hbm, table_hbm, pos_hbm, out2_hbm,
             idx_v, pos_v, rows_g, rows_o, gsem, ssem):
    wid = lax.axis_index("s") * NC + lax.axis_index("c")
    idx_row_base = wid * (ROWS_PER_W // IDX_MINOR)
    out_base = wid * (ROWS_PER_W // 2)

    pltpu.sync_copy(tokens_hbm.at[pl.ds(idx_row_base, ROWS_PER_W // IDX_MINOR)],
                    idx_v)
    pltpu.sync_copy(pos_hbm, pos_v)

    def start_gather(c, b):
        for h in range(IDX_ROWS_PER_CHUNK):
            pltpu.async_copy(
                table_hbm.at[idx_v.at[c * IDX_ROWS_PER_CHUNK + h]],
                rows_g[b].at[pl.ds(h * IDX_MINOR, IDX_MINOR), :],
                gsem[b])

    for b in range(NBUF):
        start_gather(b, b)

    def outer(g, carry):
        for b in range(NBUF):
            c = g * NBUF + b
            for h in range(IDX_ROWS_PER_CHUNK):
                pltpu.make_async_copy(
                    table_hbm.at[idx_v.at[0]],
                    rows_g[b].at[pl.ds(h * IDX_MINOR, IDX_MINOR), :],
                    gsem[b]).wait()
            @pl.when(g > 0)
            def _wait_scatter():
                pltpu.make_async_copy(
                    rows_o[b],
                    out2_hbm.at[pl.ds(0, CHUNK // 2), :],
                    ssem[b]).wait()

            @plsc.parallel_loop(0, CHUNK // 2, step=1, unroll=10)
            def _add_row(pr):
                for half in range(2):
                    t = 2 * pr + half
                    for l in range(EMBD // LANES):
                        sl = pl.ds(l * LANES, LANES)
                        osl = pl.ds(half * EMBD + l * LANES, LANES)
                        rows_o[b][pr, osl] = rows_g[b][t, sl] + pos_v[t, sl]

            pltpu.async_copy(
                rows_o[b],
                out2_hbm.at[pl.ds(out_base + c * (CHUNK // 2), CHUNK // 2), :],
                ssem[b])
            @pl.when(g < NOUTER - 1)
            def _next_gather():
                start_gather(c + NBUF, b)
        return carry

    lax.fori_loop(0, NOUTER, outer, 0)

    for b in range(NBUF):
        pltpu.make_async_copy(
            rows_o[b], out2_hbm.at[pl.ds(0, CHUNK // 2), :], ssem[b]).wait()


@jax.jit
def _sc_embed(tokens_flat2d, token_table, pos_embedding):
    mesh = plsc.VectorSubcoreMesh(core_axis_name="c", subcore_axis_name="s")
    call = pl.kernel(
        _sc_body,
        out_type=jax.ShapeDtypeStruct((ROWS // 2, 2 * EMBD), jnp.float32),
        mesh=mesh,
        compiler_params=pltpu.CompilerParams(use_tc_tiling_on_sc=False),
        scratch_types=dict(
            idx_v=pltpu.VMEM((ROWS_PER_W // IDX_MINOR, IDX_MINOR), jnp.int32),
            pos_v=pltpu.VMEM((NTOKENS, EMBD), jnp.float32),
            rows_g=[pltpu.VMEM((CHUNK, EMBD), jnp.float32) for _ in range(NBUF)],
            rows_o=[pltpu.VMEM((CHUNK // 2, 2 * EMBD), jnp.float32)
                    for _ in range(NBUF)],
            gsem=[pltpu.SemaphoreType.DMA for _ in range(NBUF)],
            ssem=[pltpu.SemaphoreType.DMA for _ in range(NBUF)],
        ),
    )
    return call(tokens_flat2d, token_table, pos_embedding)


def kernel(tokens, token_table, pos_embedding):
    tokens_flat2d = tokens.astype(jnp.int32).reshape(ROWS // IDX_MINOR, IDX_MINOR)
    out = _sc_embed(tokens_flat2d, token_table, pos_embedding)
    return out.reshape(BATCH, NTOKENS, EMBD)

# --- scband reference (transcript-rebuilt; emitter-appended) ---
"""Pipeline reference for scband-clipembedding-42829413875958 (READ-ONLY COPY).

The authoritative reference and input builder live on the scoring server;
editing this copy changes nothing except your own understanding.
"""

import jax, jax.numpy as jnp
import numpy as np

NVOCAB = 1000000
EMBD = 64
NTOKENS = 200
BATCH = 4096


def setup_inputs(seed: int = 0) -> dict:
    key = jax.random.key(seed)
    k1, k2, k3 = jax.random.split(key, 3)
    tokens = jax.random.randint(k1, (BATCH, NTOKENS), 0, NVOCAB, dtype=jnp.int64 if jax.config.jax_enable_x64 else jnp.int32)
    token_table = jax.random.normal(k2, (NVOCAB, EMBD), dtype=jnp.float32) * 0.02
    pos_embedding = jax.random.normal(k3, (NTOKENS, EMBD), dtype=jnp.float32) * 0.02
    return {"tokens": tokens, "token_table": token_table, "pos_embedding": pos_embedding}


def reference(tokens, token_table, pos_embedding):
    # x = tokenembedding(tokens)  -> gather rows from table
    x = jnp.take(token_table, tokens, axis=0)  # [B, ntokens, embd]
    # x += positionembedding (broadcast over batch)
    x = x + pos_embedding[None, :, :]
    return x

if __name__ == "__main__":
    import jax
    _d = setup_inputs()
    print(jax.jit(kernel)(*tuple(_d.values())))

</pallas_src>

<mosaic_0001>
#map = affine_map<(d0, d1) -> (0, 0)>
module attributes {stable_mosaic.version = 14 : i64} {
  func.func @_sc_body(%arg0: i32, %arg1: i32, %arg2: memref<8192x100xi32, #tpu.memory_space<hbm>>, %arg3: memref<1000000x64xf32, #tpu.memory_space<hbm>>, %arg4: memref<200x64xf32, #tpu.memory_space<hbm>>, %arg5: memref<409600x128xf32, #tpu.memory_space<hbm>>, %arg6: memref<!tpu.dma_semaphore, #tpu.memory_space<semaphore_mem>>, %arg7: memref<!tpu.dma_semaphore, #tpu.memory_space<semaphore_mem>>, %arg8: memref<256x100xi32, #tpu.memory_space<vmem>>, %arg9: memref<200x64xf32, #tpu.memory_space<vmem>>, %arg10: memref<200x64xf32, #tpu.memory_space<vmem>>, %arg11: memref<200x64xf32, #tpu.memory_space<vmem>>, %arg12: memref<100x128xf32, #tpu.memory_space<vmem>>, %arg13: memref<100x128xf32, #tpu.memory_space<vmem>>, %arg14: memref<!tpu.dma_semaphore, #tpu.memory_space<semaphore_mem>>, %arg15: memref<!tpu.dma_semaphore, #tpu.memory_space<semaphore_mem>>) attributes {dimension_semantics = [#tpu.dimension_semantics<core_parallel>, #tpu.dimension_semantics<subcore_parallel>], iteration_bounds = array<i64: 2, 16>, scalar_prefetch = 0 : i64, scratch_operands = 10 : i64, tpu.core_type = #tpu.core_type<sc_vector_subcore>, window_params = [{transform_indices = #map}, {transform_indices = #map}, {transform_indices = #map}, {transform_indices = #map}]} {
    %mul3A = arith.constant 2 : i32
    %mul3A_0 = arith.muli %arg1, %mul3A : i32
    %add3A = arith.addi %mul3A_0, %arg0 : i32
    %mul3A_1 = arith.constant 256 : i32
    %mul3A_2 = arith.muli %add3A, %mul3A_1 : i32
    %mul3A_3 = arith.constant 12800 : i32
    %mul3A_4 = arith.muli %add3A, %mul3A_3 : i32
    "tpu.region"() ({
      %run_scoped3A = tpu.sem_alloc : memref<!tpu.dma_semaphore, #tpu.memory_space<semaphore_mem>>
      %dma_start3A_60 = arith.constant 0 : i32
      %dma_start3A_61 = tpu.memref_slice %arg2[%mul3A_2, %dma_start3A_60] : memref<8192x100xi32, #tpu.memory_space<hbm>> -> memref<256x100xi32, #tpu.memory_space<hbm>>
      %dma_start3A_62 = arith.constant 0 : i32
      %dma_start3A_63 = tpu.memref_slice %arg2[%mul3A_2, %dma_start3A_62] : memref<8192x100xi32, #tpu.memory_space<hbm>> -> memref<256x100xi32, #tpu.memory_space<hbm>>
      tpu.enqueue_dma source(%dma_start3A_63 : memref<256x100xi32, #tpu.memory_space<hbm>>) target(%arg8 : memref<256x100xi32, #tpu.memory_space<vmem>>) target_semaphore(%run_scoped3A : memref<!tpu.dma_semaphore, #tpu.memory_space<semaphore_mem>>)
      %dma_wait3A_64 = arith.constant 0 : i32
      %dma_wait3A_65 = tpu.memref_slice %arg2[%mul3A_2, %dma_wait3A_64] : memref<8192x100xi32, #tpu.memory_space<hbm>> -> memref<256x100xi32, #tpu.memory_space<hbm>>
      %dma_wait3A_66 = arith.constant 0 : i32
      %dma_wait3A_67 = tpu.memref_slice %arg2[%mul3A_2, %dma_wait3A_66] : memref<8192x100xi32, #tpu.memory_space<hbm>> -> memref<256x100xi32, #tpu.memory_space<hbm>>
      tpu.wait_dma2 semaphore(%run_scoped3A : memref<!tpu.dma_semaphore, #tpu.memory_space<semaphore_mem>>) src(%dma_wait3A_67 : memref<256x100xi32, #tpu.memory_space<hbm>>) dst(%arg8 : memref<256x100xi32, #tpu.memory_space<vmem>>)
      tpu.yield
    }) : () -> ()
    "tpu.region"() ({
      %run_scoped3A = tpu.sem_alloc : memref<!tpu.dma_semaphore, #tpu.memory_space<semaphore_mem>>
      tpu.enqueue_dma source(%arg4 : memref<200x64xf32, #tpu.memory_space<hbm>>) target(%arg9 : memref<200x64xf32, #tpu.memory_space<vmem>>) target_semaphore(%run_scoped3A : memref<!tpu.dma_semaphore, #tpu.memory_space<semaphore_mem>>)
      tpu.wait_dma2 semaphore(%run_scoped3A : memref<!tpu.dma_semaphore, #tpu.memory_space<semaphore_mem>>) src(%arg4 : memref<200x64xf32, #tpu.memory_space<hbm>>) dst(%arg9 : memref<200x64xf32, #tpu.memory_space<vmem>>)
      tpu.yield
    }) : () -> ()
    %dma_start3A = arith.constant 0 : i32
    %dma_start3A_5 = arith.constant 0 : i32
    %dma_start3A_6 = arith.constant 0 : i32
    %dma_start3A_7 = tpu.memref_slice %arg10[%dma_start3A_5, %dma_start3A_6] : memref<200x64xf32, #tpu.memory_space<vmem>> -> memref<100x64xf32, #tpu.memory_space<vmem>>
    %dma_start3A_8 = arith.constant 0 : i32
    %dma_start3A_9 = tpu.memref_slice %arg8[%dma_start3A, %dma_start3A_8] : memref<256x100xi32, #tpu.memory_space<vmem>> -> memref<1x100xi32, #tpu.memory_space<vmem>>
    %dma_start3A_10 = tpu.memref_squeeze %dma_start3A_9 : memref<1x100xi32, #tpu.memory_space<vmem>> -> memref<100xi32, #tpu.memory_space<vmem>>
    %dma_start3A_11 = arith.constant 0 : i32
    %dma_start3A_12 = arith.constant 0 : i32
    %dma_start3A_13 = tpu.memref_slice %arg3[%dma_start3A_11, %dma_start3A_12] : memref<1000000x64xf32, #tpu.memory_space<hbm>> -> memref<1000000x64xf32, #tpu.memory_space<hbm>>
    tpu.enqueue_indirect_dma source(%dma_start3A_13 : memref<1000000x64xf32, #tpu.memory_space<hbm>>) target(%dma_start3A_7 : memref<100x64xf32, #tpu.memory_space<vmem>>) offsets(%dma_start3A_10 : memref<100xi32, #tpu.memory_space<vmem>>) semaphore(%arg6 : memref<!tpu.dma_semaphore, #tpu.memory_space<semaphore_mem>>)
    %dma_start3A_14 = arith.constant 1 : i32
    %dma_start3A_15 = arith.constant 100 : i32
    %dma_start3A_16 = arith.constant 0 : i32
    %dma_start3A_17 = tpu.memref_slice %arg10[%dma_start3A_15, %dma_start3A_16] : memref<200x64xf32, #tpu.memory_space<vmem>> -> memref<100x64xf32, #tpu.memory_space<vmem>>
    %dma_start3A_18 = arith.constant 0 : i32
    %dma_start3A_19 = tpu.memref_slice %arg8[%dma_start3A_14, %dma_start3A_18] : memref<256x100xi32, #tpu.memory_space<vmem>> -> memref<1x100xi32, #tpu.memory_space<vmem>>
    %dma_start3A_20 = tpu.memref_squeeze %dma_start3A_19 : memref<1x100xi32, #tpu.memory_space<vmem>> -> memref<100xi32, #tpu.memory_space<vmem>>
    %dma_start3A_21 = arith.constant 0 : i32
    %dma_start3A_22 = arith.constant 0 : i32
    %dma_start3A_23 = tpu.memref_slice %arg3[%dma_start3A_21, %dma_start3A_22] : memref<1000000x64xf32, #tpu.memory_space<hbm>> -> memref<1000000x64xf32, #tpu.memory_space<hbm>>
    tpu.enqueue_indirect_dma source(%dma_start3A_23 : memref<1000000x64xf32, #tpu.memory_space<hbm>>) target(%dma_start3A_17 : memref<100x64xf32, #tpu.memory_space<vmem>>) offsets(%dma_start3A_20 : memref<100xi32, #tpu.memory_space<vmem>>) semaphore(%arg6 : memref<!tpu.dma_semaphore, #tpu.memory_space<semaphore_mem>>)
    %dma_start3A_24 = arith.constant 2 : i32
    %dma_start3A_25 = arith.constant 0 : i32
    %dma_start3A_26 = arith.constant 0 : i32
    %dma_start3A_27 = tpu.memref_slice %arg11[%dma_start3A_25, %dma_start3A_26] : memref<200x64xf32, #tpu.memory_space<vmem>> -> memref<100x64xf32, #tpu.memory_space<vmem>>
    %dma_start3A_28 = arith.constant 0 : i32
    %dma_start3A_29 = tpu.memref_slice %arg8[%dma_start3A_24, %dma_start3A_28] : memref<256x100xi32, #tpu.memory_space<vmem>> -> memref<1x100xi32, #tpu.memory_space<vmem>>
    %dma_start3A_30 = tpu.memref_squeeze %dma_start3A_29 : memref<1x100xi32, #tpu.memory_space<vmem>> -> memref<100xi32, #tpu.memory_space<vmem>>
    %dma_start3A_31 = arith.constant 0 : i32
    %dma_start3A_32 = arith.constant 0 : i32
    %dma_start3A_33 = tpu.memref_slice %arg3[%dma_start3A_31, %dma_start3A_32] : memref<1000000x64xf32, #tpu.memory_space<hbm>> -> memref<1000000x64xf32, #tpu.memory_space<hbm>>
    tpu.enqueue_indirect_dma source(%dma_start3A_33 : memref<1000000x64xf32, #tpu.memory_space<hbm>>) target(%dma_start3A_27 : memref<100x64xf32, #tpu.memory_space<vmem>>) offsets(%dma_start3A_30 : memref<100xi32, #tpu.memory_space<vmem>>) semaphore(%arg7 : memref<!tpu.dma_semaphore, #tpu.memory_space<semaphore_mem>>)
    %dma_start3A_34 = arith.constant 3 : i32
    %dma_start3A_35 = arith.constant 100 : i32
    %dma_start3A_36 = arith.constant 0 : i32
    %dma_start3A_37 = tpu.memref_slice %arg11[%dma_start3A_35, %dma_start3A_36] : memref<200x64xf32, #tpu.memory_space<vmem>> -> memref<100x64xf32, #tpu.memory_space<vmem>>
    %dma_start3A_38 = arith.constant 0 : i32
    %dma_start3A_39 = tpu.memref_slice %arg8[%dma_start3A_34, %dma_start3A_38] : memref<256x100xi32, #tpu.memory_space<vmem>> -> memref<1x100xi32, #tpu.memory_space<vmem>>
    %dma_start3A_40 = tpu.memref_squeeze %dma_start3A_39 : memref<1x100xi32, #tpu.memory_space<vmem>> -> memref<100xi32, #tpu.memory_space<vmem>>
    %dma_start3A_41 = arith.constant 0 : i32
    %dma_start3A_42 = arith.constant 0 : i32
    %dma_start3A_43 = tpu.memref_slice %arg3[%dma_start3A_41, %dma_start3A_42] : memref<1000000x64xf32, #tpu.memory_space<hbm>> -> memref<1000000x64xf32, #tpu.memory_space<hbm>>
    tpu.enqueue_indirect_dma source(%dma_start3A_43 : memref<1000000x64xf32, #tpu.memory_space<hbm>>) target(%dma_start3A_37 : memref<100x64xf32, #tpu.memory_space<vmem>>) offsets(%dma_start3A_40 : memref<100xi32, #tpu.memory_space<vmem>>) semaphore(%arg7 : memref<!tpu.dma_semaphore, #tpu.memory_space<semaphore_mem>>)
    %scan3A = arith.constant 0 : i32
    %scan3A_44 = arith.constant 0 : i32
    %scan3A_45 = arith.constant 64 : i32
    %scan3A_46 = arith.addi %scan3A_44, %scan3A_45 : i32
    %scan3A_47 = arith.constant 1 : i32
    scf.for %scan3A_60 = %scan3A_44 to %scan3A_46 step %scan3A_47  : i32 {
      %mul3A_61 = arith.constant 2 : i32
      %mul3A_62 = arith.muli %scan3A_60, %mul3A_61 : i32
      %add3A_63 = arith.constant 0 : i32
      %add3A_64 = arith.addi %mul3A_62, %add3A_63 : i32
      %dma_wait3A_65 = arith.constant 0 : i32
      %dma_wait3A_66 = arith.constant 0 : i32
      %dma_wait3A_67 = arith.constant 0 : i32
      %dma_wait3A_68 = tpu.memref_slice %arg10[%dma_wait3A_66, %dma_wait3A_67] : memref<200x64xf32, #tpu.memory_space<vmem>> -> memref<100x64xf32, #tpu.memory_space<vmem>>
      %dma_wait3A_69 = arith.constant 0 : i32
      %dma_wait3A_70 = tpu.memref_slice %arg8[%dma_wait3A_65, %dma_wait3A_69] : memref<256x100xi32, #tpu.memory_space<vmem>> -> memref<1x100xi32, #tpu.memory_space<vmem>>
      %dma_wait3A_71 = tpu.memref_squeeze %dma_wait3A_70 : memref<1x100xi32, #tpu.memory_space<vmem>> -> memref<100xi32, #tpu.memory_space<vmem>>
      %dma_wait3A_72 = arith.constant 0 : i32
      %dma_wait3A_73 = arith.constant 0 : i32
      %dma_wait3A_74 = tpu.memref_slice %arg3[%dma_wait3A_72, %dma_wait3A_73] : memref<1000000x64xf32, #tpu.memory_space<hbm>> -> memref<1000000x64xf32, #tpu.memory_space<hbm>>
      tpu.wait_indirect_dma semaphore(%arg6 : memref<!tpu.dma_semaphore, #tpu.memory_space<semaphore_mem>>) src(%dma_wait3A_74 : memref<1000000x64xf32, #tpu.memory_space<hbm>>) dst(%dma_wait3A_68 : memref<100x64xf32, #tpu.memory_space<vmem>>)
      %dma_wait3A_75 = arith.constant 0 : i32
      %dma_wait3A_76 = arith.constant 100 : i32
      %dma_wait3A_77 = arith.constant 0 : i32
      %dma_wait3A_78 = tpu.memref_slice %arg10[%dma_wait3A_76, %dma_wait3A_77] : memref<200x64xf32, #tpu.memory_space<vmem>> -> memref<100x64xf32, #tpu.memory_space<vmem>>
      %dma_wait3A_79 = arith.constant 0 : i32
      %dma_wait3A_80 = tpu.memref_slice %arg8[%dma_wait3A_75, %dma_wait3A_79] : memref<256x100xi32, #tpu.memory_space<vmem>> -> memref<1x100xi32, #tpu.memory_space<vmem>>
      %dma_wait3A_81 = tpu.memref_squeeze %dma_wait3A_80 : memref<1x100xi32, #tpu.memory_space<vmem>> -> memref<100xi32, #tpu.memory_space<vmem>>
      %dma_wait3A_82 = arith.constant 0 : i32
      %dma_wait3A_83 = arith.constant 0 : i32
      %dma_wait3A_84 = tpu.memref_slice %arg3[%dma_wait3A_82, %dma_wait3A_83] : memref<1000000x64xf32, #tpu.memory_space<hbm>> -> memref<1000000x64xf32, #tpu.memory_space<hbm>>
      tpu.wait_indirect_dma semaphore(%arg6 : memref<!tpu.dma_semaphore, #tpu.memory_space<semaphore_mem>>) src(%dma_wait3A_84 : memref<1000000x64xf32, #tpu.memory_space<hbm>>) dst(%dma_wait3A_78 : memref<100x64xf32, #tpu.memory_space<vmem>>)
      %gt3A = arith.constant 0 : i32
      %gt3A_85 = arith.cmpi sgt, %scan3A_60, %gt3A : i32
      %convert_element_type3A = arith.extui %gt3A_85 : i1 to i32
      %cond3A = arith.constant 0 : i32
      %cond3A_86 = arith.cmpi ne, %convert_element_type3A, %cond3A : i32
      scf.if %cond3A_86 {
        %dma_wait3A_144 = arith.constant 0 : i32
        %dma_wait3A_145 = arith.constant 0 : i32
        %dma_wait3A_146 = tpu.memref_slice %arg5[%dma_wait3A_144, %dma_wait3A_145] : memref<409600x128xf32, #tpu.memory_space<hbm>> -> memref<100x128xf32, #tpu.memory_space<hbm>>
        %dma_wait3A_147 = arith.constant 0 : i32
        %dma_wait3A_148 = arith.constant 0 : i32
        %dma_wait3A_149 = tpu.memref_slice %arg5[%dma_wait3A_147, %dma_wait3A_148] : memref<409600x128xf32, #tpu.memory_space<hbm>> -> memref<100x128xf32, #tpu.memory_space<hbm>>
        tpu.wait_dma2 semaphore(%arg14 : memref<!tpu.dma_semaphore, #tpu.memory_space<semaphore_mem>>) src(%arg12 : memref<100x128xf32, #tpu.memory_space<vmem>>) dst(%dma_wait3A_149 : memref<100x128xf32, #tpu.memory_space<hbm>>)
      } else {
      }
      %parallel_loop3A = arith.constant 0 : i32
      %parallel_loop3A_87 = arith.constant 100 : i32
      %parallel_loop3A_88 = arith.constant 1 : i32
      scf.for %parallel_loop3A_144 = %parallel_loop3A to %parallel_loop3A_87 step %parallel_loop3A_88  : i32 {
        %parallel_loop3A_145 = arith.constant 2 : i32
        %parallel_loop3A_146 = arith.muli %parallel_loop3A_145, %parallel_loop3A_144 : i32
        %parallel_loop3A_147 = arith.constant 0 : i32
        %parallel_loop3A_148 = arith.addi %parallel_loop3A_146, %parallel_loop3A_147 : i32
        %parallel_loop3A_149 = arith.index_cast %parallel_loop3A_148 : i32 to index
        %parallel_loop3A_150 = arith.constant 0 : index
        %parallel_loop3A_151 = tpu.vector_load %arg10[%parallel_loop3A_149, %parallel_loop3A_150] {strides = array<i32>} : memref<200x64xf32, #tpu.memory_space<vmem>>, vector<1x16xf32>,
        %parallel_loop3A_152 = vector.shape_cast %parallel_loop3A_151 : vector<1x16xf32> to vector<16xf32>
        %parallel_loop3A_153 = arith.index_cast %parallel_loop3A_148 : i32 to index
        %parallel_loop3A_154 = arith.constant 0 : index
        %parallel_loop3A_155 = tpu.vector_load %arg9[%parallel_loop3A_153, %parallel_loop3A_154] {strides = array<i32>} : memref<200x64xf32, #tpu.memory_space<vmem>>, vector<1x16xf32>,
        %parallel_loop3A_156 = vector.shape_cast %parallel_loop3A_155 : vector<1x16xf32> to vector<16xf32>
        %parallel_loop3A_157 = arith.addf %parallel_loop3A_152, %parallel_loop3A_156 : vector<16xf32>
        %parallel_loop3A_158 = arith.index_cast %parallel_loop3A_144 : i32 to index
        %parallel_loop3A_159 = arith.constant 0 : index
        %parallel_loop3A_160 = tpu.vector_load %arg12[%parallel_loop3A_158, %parallel_loop3A_159] {strides = array<i32>} : memref<100x128xf32, #tpu.memory_space<vmem>>, vector<1x16xf32>,
        %parallel_loop3A_161 = vector.shape_cast %parallel_loop3A_160 : vector<1x16xf32> to vector<16xf32>
        %parallel_loop3A_162 = vector.shape_cast %parallel_loop3A_157 : vector<16xf32> to vector<1x16xf32>
        tpu.vector_store %arg12[%parallel_loop3A_158, %parallel_loop3A_159], %parallel_loop3A_162 {strides = array<i32>} : memref<100x128xf32, #tpu.memory_space<vmem>>, vector<1x16xf32>,
        %parallel_loop3A_163 = arith.index_cast %parallel_loop3A_148 : i32 to index
        %parallel_loop3A_164 = arith.constant 16 : index
        %parallel_loop3A_165 = tpu.vector_load %arg10[%parallel_loop3A_163, %parallel_loop3A_164] {strides = array<i32>} : memref<200x64xf32, #tpu.memory_space<vmem>>, vector<1x16xf32>,
        %parallel_loop3A_166 = vector.shape_cast %parallel_loop3A_165 : vector<1x16xf32> to vector<16xf32>
        %parallel_loop3A_167 = arith.index_cast %parallel_loop3A_148 : i32 to index
        %parallel_loop3A_168 = arith.constant 16 : index
        %parallel_loop3A_169 = tpu.vector_load %arg9[%parallel_loop3A_167, %parallel_loop3A_168] {strides = array<i32>} : memref<200x64xf32, #tpu.memory_space<vmem>>, vector<1x16xf32>,
        %parallel_loop3A_170 = vector.shape_cast %parallel_loop3A_169 : vector<1x16xf32> to vector<16xf32>
        %parallel_loop3A_171 = arith.addf %parallel_loop3A_166, %parallel_loop3A_170 : vector<16xf32>
        %parallel_loop3A_172 = arith.index_cast %parallel_loop3A_144 : i32 to index
        %parallel_loop3A_173 = arith.constant 16 : index
        %parallel_loop3A_174 = tpu.vector_load %arg12[%parallel_loop3A_172, %parallel_loop3A_173] {strides = array<i32>} : memref<100x128xf32, #tpu.memory_space<vmem>>, vector<1x16xf32>,
        %parallel_loop3A_175 = vector.shape_cast %parallel_loop3A_174 : vector<1x16xf32> to vector<16xf32>
        %parallel_loop3A_176 = vector.shape_cast %parallel_loop3A_171 : vector<16xf32> to vector<1x16xf32>
        tpu.vector_store %arg12[%parallel_loop3A_172, %parallel_loop3A_173], %parallel_loop3A_176 {strides = array<i32>} : memref<100x128xf32, #tpu.memory_space<vmem>>, vector<1x16xf32>,
        %parallel_loop3A_177 = arith.index_cast %parallel_loop3A_148 : i32 to index
        %parallel_loop3A_178 = arith.constant 32 : index
        %parallel_loop3A_179 = tpu.vector_load %arg10[%parallel_loop3A_177, %parallel_loop3A_178] {strides = array<i32>} : memref<200x64xf32, #tpu.memory_space<vmem>>, vector<1x16xf32>,
        %parallel_loop3A_180 = vector.shape_cast %parallel_loop3A_179 : vector<1x16xf32> to vector<16xf32>
        %parallel_loop3A_181 = arith.index_cast %parallel_loop3A_148 : i32 to index
        %parallel_loop3A_182 = arith.constant 32 : index
        %parallel_loop3A_183 = tpu.vector_load %arg9[%parallel_loop3A_181, %parallel_loop3A_182] {strides = array<i32>} : memref<200x64xf32, #tpu.memory_space<vmem>>, vector<1x16xf32>,
        %parallel_loop3A_184 = vector.shape_cast %parallel_loop3A_183 : vector<1x16xf32> to vector<16xf32>
        %parallel_loop3A_185 = arith.addf %parallel_loop3A_180, %parallel_loop3A_184 : vector<16xf32>
        %parallel_loop3A_186 = arith.index_cast %parallel_loop3A_144 : i32 to index
        %parallel_loop3A_187 = arith.constant 32 : index
        %parallel_loop3A_188 = tpu.vector_load %arg12[%parallel_loop3A_186, %parallel_loop3A_187] {strides = array<i32>} : memref<100x128xf32, #tpu.memory_space<vmem>>, vector<1x16xf32>,
        %parallel_loop3A_189 = vector.shape_cast %parallel_loop3A_188 : vector<1x16xf32> to vector<16xf32>
        %parallel_loop3A_190 = vector.shape_cast %parallel_loop3A_185 : vector<16xf32> to vector<1x16xf32>
        tpu.vector_store %arg12[%parallel_loop3A_186, %parallel_loop3A_187], %parallel_loop3A_190 {strides = array<i32>} : memref<100x128xf32, #tpu.memory_space<vmem>>, vector<1x16xf32>,
        %parallel_loop3A_191 = arith.index_cast %parallel_loop3A_148 : i32 to index
        %parallel_loop3A_192 = arith.constant 48 : index
        %parallel_loop3A_193 = tpu.vector_load %arg10[%parallel_loop3A_191, %parallel_loop3A_192] {strides = array<i32>} : memref<200x64xf32, #tpu.memory_space<vmem>>, vector<1x16xf32>,
        %parallel_loop3A_194 = vector.shape_cast %parallel_loop3A_193 : vector<1x16xf32> to vector<16xf32>
        %parallel_loop3A_195 = arith.index_cast %parallel_loop3A_148 : i32 to index
        %parallel_loop3A_196 = arith.constant 48 : index
        %parallel_loop3A_197 = tpu.vector_load %arg9[%parallel_loop3A_195, %parallel_loop3A_196] {strides = array<i32>} : memref<200x64xf32, #tpu.memory_space<vmem>>, vector<1x16xf32>,
        %parallel_loop3A_198 = vector.shape_cast %parallel_loop3A_197 : vector<1x16xf32> to vector<16xf32>
        %parallel_loop3A_199 = arith.addf %parallel_loop3A_194, %parallel_loop3A_198 : vector<16xf32>
        %parallel_loop3A_200 = arith.index_cast %parallel_loop3A_144 : i32 to index
        %parallel_loop3A_201 = arith.constant 48 : index
        %parallel_loop3A_202 = tpu.vector_load %arg12[%parallel_loop3A_200, %parallel_loop3A_201] {strides = array<i32>} : memref<100x128xf32, #tpu.memory_space<vmem>>, vector<1x16xf32>,
        %parallel_loop3A_203 = vector.shape_cast %parallel_loop3A_202 : vector<1x16xf32> to vector<16xf32>
        %parallel_loop3A_204 = vector.shape_cast %parallel_loop3A_199 : vector<16xf32> to vector<1x16xf32>
        tpu.vector_store %arg12[%parallel_loop3A_200, %parallel_loop3A_201], %parallel_loop3A_204 {strides = array<i32>} : memref<100x128xf32, #tpu.memory_space<vmem>>, vector<1x16xf32>,
        %parallel_loop3A_205 = arith.constant 2 : i32
        %parallel_loop3A_206 = arith.muli %parallel_loop3A_205, %parallel_loop3A_144 : i32
        %parallel_loop3A_207 = arith.constant 1 : i32
        %parallel_loop3A_208 = arith.addi %parallel_loop3A_206, %parallel_loop3A_207 : i32
        %parallel_loop3A_209 = arith.index_cast %parallel_loop3A_208 : i32 to index
        %parallel_loop3A_210 = arith.constant 0 : index
        %parallel_loop3A_211 = tpu.vector_load %arg10[%parallel_loop3A_209, %parallel_loop3A_210] {strides = array<i32>} : memref<200x64xf32, #tpu.memory_space<vmem>>, vector<1x16xf32>,
        %parallel_loop3A_212 = vector.shape_cast %parallel_loop3A_211 : vector<1x16xf32> to vector<16xf32>
        %parallel_loop3A_213 = arith.index_cast %parallel_loop3A_208 : i32 to index
        %parallel_loop3A_214 = arith.constant 0 : index
        %parallel_loop3A_215 = tpu.vector_load %arg9[%parallel_loop3A_213, %parallel_loop3A_214] {strides = array<i32>} : memref<200x64xf32, #tpu.memory_space<vmem>>, vector<1x16xf32>,
        %parallel_loop3A_216 = vector.shape_cast %parallel_loop3A_215 : vector<1x16xf32> to vector<16xf32>
        %parallel_loop3A_217 = arith.addf %parallel_loop3A_212, %parallel_loop3A_216 : vector<16xf32>
        %parallel_loop3A_218 = arith.index_cast %parallel_loop3A_144 : i32 to index
        %parallel_loop3A_219 = arith.constant 64 : index
        %parallel_loop3A_220 = tpu.vector_load %arg12[%parallel_loop3A_218, %parallel_loop3A_219] {strides = array<i32>} : memref<100x128xf32, #tpu.memory_space<vmem>>, vector<1x16xf32>,
        %parallel_loop3A_221 = vector.shape_cast %parallel_loop3A_220 : vector<1x16xf32> to vector<16xf32>
        %parallel_loop3A_222 = vector.shape_cast %parallel_loop3A_217 : vector<16xf32> to vector<1x16xf32>
        tpu.vector_store %arg12[%parallel_loop3A_218, %parallel_loop3A_219], %parallel_loop3A_222 {strides = array<i32>} : memref<100x128xf32, #tpu.memory_space<vmem>>, vector<1x16xf32>,
        %parallel_loop3A_223 = arith.index_cast %parallel_loop3A_208 : i32 to index
        %parallel_loop3A_224 = arith.constant 16 : index
        %parallel_loop3A_225 = tpu.vector_load %arg10[%parallel_loop3A_223, %parallel_loop3A_224] {strides = array<i32>} : memref<200x64xf32, #tpu.memory_space<vmem>>, vector<1x16xf32>,
        %parallel_loop3A_226 = vector.shape_cast %parallel_loop3A_225 : vector<1x16xf32> to vector<16xf32>
        %parallel_loop3A_227 = arith.index_cast %parallel_loop3A_208 : i32 to index
        %parallel_loop3A_228 = arith.constant 16 : index
        %parallel_loop3A_229 = tpu.vector_load %arg9[%parallel_loop3A_227, %parallel_loop3A_228] {strides = array<i32>} : memref<200x64xf32, #tpu.memory_space<vmem>>, vector<1x16xf32>,
        %parallel_loop3A_230 = vector.shape_cast %parallel_loop3A_229 : vector<1x16xf32> to vector<16xf32>
        %parallel_loop3A_231 = arith.addf %parallel_loop3A_226, %parallel_loop3A_230 : vector<16xf32>
        %parallel_loop3A_232 = arith.index_cast %parallel_loop3A_144 : i32 to index
        %parallel_loop3A_233 = arith.constant 80 : index
        %parallel_loop3A_234 = tpu.vector_load %arg12[%parallel_loop3A_232, %parallel_loop3A_233] {strides = array<i32>} : memref<100x128xf32, #tpu.memory_space<vmem>>, vector<1x16xf32>,
        %parallel_loop3A_235 = vector.shape_cast %parallel_loop3A_234 : vector<1x16xf32> to vector<16xf32>
        %parallel_loop3A_236 = vector.shape_cast %parallel_loop3A_231 : vector<16xf32> to vector<1x16xf32>
        tpu.vector_store %arg12[%parallel_loop3A_232, %parallel_loop3A_233], %parallel_loop3A_236 {strides = array<i32>} : memref<100x128xf32, #tpu.memory_space<vmem>>, vector<1x16xf32>,
        %parallel_loop3A_237 = arith.index_cast %parallel_loop3A_208 : i32 to index
        %parallel_loop3A_238 = arith.constant 32 : index
        %parallel_loop3A_239 = tpu.vector_load %arg10[%parallel_loop3A_237, %parallel_loop3A_238] {strides = array<i32>} : memref<200x64xf32, #tpu.memory_space<vmem>>, vector<1x16xf32>,
        %parallel_loop3A_240 = vector.shape_cast %parallel_loop3A_239 : vector<1x16xf32> to vector<16xf32>
        %parallel_loop3A_241 = arith.index_cast %parallel_loop3A_208 : i32 to index
        %parallel_loop3A_242 = arith.constant 32 : index
        %parallel_loop3A_243 = tpu.vector_load %arg9[%parallel_loop3A_241, %parallel_loop3A_242] {strides = array<i32>} : memref<200x64xf32, #tpu.memory_space<vmem>>, vector<1x16xf32>,
        %parallel_loop3A_244 = vector.shape_cast %parallel_loop3A_243 : vector<1x16xf32> to vector<16xf32>
        %parallel_loop3A_245 = arith.addf %parallel_loop3A_240, %parallel_loop3A_244 : vector<16xf32>
        %parallel_loop3A_246 = arith.index_cast %parallel_loop3A_144 : i32 to index
        %parallel_loop3A_247 = arith.constant 96 : index
        %parallel_loop3A_248 = tpu.vector_load %arg12[%parallel_loop3A_246, %parallel_loop3A_247] {strides = array<i32>} : memref<100x128xf32, #tpu.memory_space<vmem>>, vector<1x16xf32>,
        %parallel_loop3A_249 = vector.shape_cast %parallel_loop3A_248 : vector<1x16xf32> to vector<16xf32>
        %parallel_loop3A_250 = vector.shape_cast %parallel_loop3A_245 : vector<16xf32> to vector<1x16xf32>
        tpu.vector_store %arg12[%parallel_loop3A_246, %parallel_loop3A_247], %parallel_loop3A_250 {strides = array<i32>} : memref<100x128xf32, #tpu.memory_space<vmem>>, vector<1x16xf32>,
        %parallel_loop3A_251 = arith.index_cast %parallel_loop3A_208 : i32 to index
        %parallel_loop3A_252 = arith.constant 48 : index
        %parallel_loop3A_253 = tpu.vector_load %arg10[%parallel_loop3A_251, %parallel_loop3A_252] {strides = array<i32>} : memref<200x64xf32, #tpu.memory_space<vmem>>, vector<1x16xf32>,
        %parallel_loop3A_254 = vector.shape_cast %parallel_loop3A_253 : vector<1x16xf32> to vector<16xf32>
        %parallel_loop3A_255 = arith.index_cast %parallel_loop3A_208 : i32 to index
        %parallel_loop3A_256 = arith.constant 48 : index
        %parallel_loop3A_257 = tpu.vector_load %arg9[%parallel_loop3A_255, %parallel_loop3A_256] {strides = array<i32>} : memref<200x64xf32, #tpu.memory_space<vmem>>, vector<1x16xf32>,
        %parallel_loop3A_258 = vector.shape_cast %parallel_loop3A_257 : vector<1x16xf32> to vector<16xf32>
        %parallel_loop3A_259 = arith.addf %parallel_loop3A_254, %parallel_loop3A_258 : vector<16xf32>
        %parallel_loop3A_260 = arith.index_cast %parallel_loop3A_144 : i32 to index
        %parallel_loop3A_261 = arith.constant 112 : index
        %parallel_loop3A_262 = tpu.vector_load %arg12[%parallel_loop3A_260, %parallel_loop3A_261] {strides = array<i32>} : memref<100x128xf32, #tpu.memory_space<vmem>>, vector<1x16xf32>,
        %parallel_loop3A_263 = vector.shape_cast %parallel_loop3A_262 : vector<1x16xf32> to vector<16xf32>
        %parallel_loop3A_264 = vector.shape_cast %parallel_loop3A_259 : vector<16xf32> to vector<1x16xf32>
        tpu.vector_store %arg12[%parallel_loop3A_260, %parallel_loop3A_261], %parallel_loop3A_264 {strides = array<i32>} : memref<100x128xf32, #tpu.memory_space<vmem>>, vector<1x16xf32>,
      } {sc.loop_unroll_factor = 10 : i64, sc.parallel_access}
      %mul3A_89 = arith.constant 100 : i32
      %mul3A_90 = arith.muli %add3A_64, %mul3A_89 : i32
      %add3A_91 = arith.addi %mul3A_4, %mul3A_90 : i32
      %dma_start3A_92 = arith.constant 0 : i32
      %dma_start3A_93 = tpu.memref_slice %arg5[%add3A_91, %dma_start3A_92] : memref<409600x128xf32, #tpu.memory_space<hbm>> -> memref<100x128xf32, #tpu.memory_space<hbm>>
      %dma_start3A_94 = arith.constant 0 : i32
      %dma_start3A_95 = tpu.memref_slice %arg5[%add3A_91, %dma_start3A_94] : memref<409600x128xf32, #tpu.memory_space<hbm>> -> memref<100x128xf32, #tpu.memory_space<hbm>>
      tpu.enqueue_dma source(%arg12 : memref<100x128xf32, #tpu.memory_space<vmem>>) target(%dma_start3A_95 : memref<100x128xf32, #tpu.memory_space<hbm>>) target_semaphore(%arg14 : memref<!tpu.dma_semaphore, #tpu.memory_space<semaphore_mem>>)
      %lt3A = arith.constant 63 : i32
      %lt3A_96 = arith.cmpi slt, %scan3A_60, %lt3A : i32
      %convert_element_type3A_97 = arith.extui %lt3A_96 : i1 to i32
      %cond3A_98 = arith.constant 0 : i32
      %cond3A_99 = arith.cmpi ne, %convert_element_type3A_97, %cond3A_98 : i32
      scf.if %cond3A_99 {
        %add3A_144 = arith.constant 2 : i32
        %add3A_145 = arith.addi %add3A_64, %add3A_144 : i32
        %mul3A_146 = arith.constant 2 : i32
        %mul3A_147 = arith.muli %add3A_145, %mul3A_146 : i32
        %add3A_148 = arith.constant 0 : i32
        %add3A_149 = arith.addi %mul3A_147, %add3A_148 : i32
        %dma_start3A_150 = arith.constant 0 : i32
        %dma_start3A_151 = arith.constant 0 : i32
        %dma_start3A_152 = tpu.memref_slice %arg10[%dma_start3A_150, %dma_start3A_151] : memref<200x64xf32, #tpu.memory_space<vmem>> -> memref<100x64xf32, #tpu.memory_space<vmem>>
        %dma_start3A_153 = arith.constant 0 : i32
        %dma_start3A_154 = tpu.memref_slice %arg8[%add3A_149, %dma_start3A_153] : memref<256x100xi32, #tpu.memory_space<vmem>> -> memref<1x100xi32, #tpu.memory_space<vmem>>
        %dma_start3A_155 = tpu.memref_squeeze %dma_start3A_154 : memref<1x100xi32, #tpu.memory_space<vmem>> -> memref<100xi32, #tpu.memory_space<vmem>>
        %dma_start3A_156 = arith.constant 0 : i32
        %dma_start3A_157 = arith.constant 0 : i32
        %dma_start3A_158 = tpu.memref_slice %arg3[%dma_start3A_156, %dma_start3A_157] : memref<1000000x64xf32, #tpu.memory_space<hbm>> -> memref<1000000x64xf32, #tpu.memory_space<hbm>>
        tpu.enqueue_indirect_dma source(%dma_start3A_158 : memref<1000000x64xf32, #tpu.memory_space<hbm>>) target(%dma_start3A_152 : memref<100x64xf32, #tpu.memory_space<vmem>>) offsets(%dma_start3A_155 : memref<100xi32, #tpu.memory_space<vmem>>) semaphore(%arg6 : memref<!tpu.dma_semaphore, #tpu.memory_space<semaphore_mem>>)
        %mul3A_159 = arith.constant 2 : i32
        %mul3A_160 = arith.muli %add3A_145, %mul3A_159 : i32
        %add3A_161 = arith.constant 1 : i32
        %add3A_162 = arith.addi %mul3A_160, %add3A_161 : i32
        %dma_start3A_163 = arith.constant 100 : i32
        %dma_start3A_164 = arith.constant 0 : i32
        %dma_start3A_165 = tpu.memref_slice %arg10[%dma_start3A_163, %dma_start3A_164] : memref<200x64xf32, #tpu.memory_space<vmem>> -> memref<100x64xf32, #tpu.memory_space<vmem>>
        %dma_start3A_166 = arith.constant 0 : i32
        %dma_start3A_167 = tpu.memref_slice %arg8[%add3A_162, %dma_start3A_166] : memref<256x100xi32, #tpu.memory_space<vmem>> -> memref<1x100xi32, #tpu.memory_space<vmem>>
        %dma_start3A_168 = tpu.memref_squeeze %dma_start3A_167 : memref<1x100xi32, #tpu.memory_space<vmem>> -> memref<100xi32, #tpu.memory_space<vmem>>
        %dma_start3A_169 = arith.constant 0 : i32
        %dma_start3A_170 = arith.constant 0 : i32
        %dma_start3A_171 = tpu.memref_slice %arg3[%dma_start3A_169, %dma_start3A_170] : memref<1000000x64xf32, #tpu.memory_space<hbm>> -> memref<1000000x64xf32, #tpu.memory_space<hbm>>
        tpu.enqueue_indirect_dma source(%dma_start3A_171 : memref<1000000x64xf32, #tpu.memory_space<hbm>>) target(%dma_start3A_165 : memref<100x64xf32, #tpu.memory_space<vmem>>) offsets(%dma_start3A_168 : memref<100xi32, #tpu.memory_space<vmem>>) semaphore(%arg6 : memref<!tpu.dma_semaphore, #tpu.memory_space<semaphore_mem>>)
      } else {
      }
      %mul3A_100 = arith.constant 2 : i32
      %mul3A_101 = arith.muli %scan3A_60, %mul3A_100 : i32
      %add3A_102 = arith.constant 1 : i32
      %add3A_103 = arith.addi %mul3A_101, %add3A_102 : i32
      %dma_wait3A_104 = arith.constant 0 : i32
      %dma_wait3A_105 = arith.constant 0 : i32
      %dma_wait3A_106 = arith.constant 0 : i32
      %dma_wait3A_107 = tpu.memref_slice %arg11[%dma_wait3A_105, %dma_wait3A_106] : memref<200x64xf32, #tpu.memory_space<vmem>> -> memref<100x64xf32, #tpu.memory_space<vmem>>
      %dma_wait3A_108 = arith.constant 0 : i32
      %dma_wait3A_109 = tpu.memref_slice %arg8[%dma_wait3A_104, %dma_wait3A_108] : memref<256x100xi32, #tpu.memory_space<vmem>> -> memref<1x100xi32, #tpu.memory_space<vmem>>
      %dma_wait3A_110 = tpu.memref_squeeze %dma_wait3A_109 : memref<1x100xi32, #tpu.memory_space<vmem>> -> memref<100xi32, #tpu.memory_space<vmem>>
      %dma_wait3A_111 = arith.constant 0 : i32
      %dma_wait3A_112 = arith.constant 0 : i32
      %dma_wait3A_113 = tpu.memref_slice %arg3[%dma_wait3A_111, %dma_wait3A_112] : memref<1000000x64xf32, #tpu.memory_space<hbm>> -> memref<1000000x64xf32, #tpu.memory_space<hbm>>
      tpu.wait_indirect_dma semaphore(%arg7 : memref<!tpu.dma_semaphore, #tpu.memory_space<semaphore_mem>>) src(%dma_wait3A_113 : memref<1000000x64xf32, #tpu.memory_space<hbm>>) dst(%dma_wait3A_107 : memref<100x64xf32, #tpu.memory_space<vmem>>)
      %dma_wait3A_114 = arith.constant 0 : i32
      %dma_wait3A_115 = arith.constant 100 : i32
      %dma_wait3A_116 = arith.constant 0 : i32
      %dma_wait3A_117 = tpu.memref_slice %arg11[%dma_wait3A_115, %dma_wait3A_116] : memref<200x64xf32, #tpu.memory_space<vmem>> -> memref<100x64xf32, #tpu.memory_space<vmem>>
      %dma_wait3A_118 = arith.constant 0 : i32
      %dma_wait3A_119 = tpu.memref_slice %arg8[%dma_wait3A_114, %dma_wait3A_118] : memref<256x100xi32, #tpu.memory_space<vmem>> -> memref<1x100xi32, #tpu.memory_space<vmem>>
      %dma_wait3A_120 = tpu.memref_squeeze %dma_wait3A_119 : memref<1x100xi32, #tpu.memory_space<vmem>> -> memref<100xi32, #tpu.memory_space<vmem>>
      %dma_wait3A_121 = arith.constant 0 : i32
      %dma_wait3A_122 = arith.constant 0 : i32
      %dma_wait3A_123 = tpu.memref_slice %arg3[%dma_wait3A_121, %dma_wait3A_122] : memref<1000000x64xf32, #tpu.memory_space<hbm>> -> memref<1000000x64xf32, #tpu.memory_space<hbm>>
      tpu.wait_indirect_dma semaphore(%arg7 : memref<!tpu.dma_semaphore, #tpu.memory_space<semaphore_mem>>) src(%dma_wait3A_123 : memref<1000000x64xf32, #tpu.memory_space<hbm>>) dst(%dma_wait3A_117 : memref<100x64xf32, #tpu.memory_space<vmem>>)
      %gt3A_124 = arith.constant 0 : i32
      %gt3A_125 = arith.cmpi sgt, %scan3A_60, %gt3A_124 : i32
      %convert_element_type3A_126 = arith.extui %gt3A_125 : i1 to i32
      %cond3A_127 = arith.constant 0 : i32
      %cond3A_128 = arith.cmpi ne, %convert_element_type3A_126, %cond3A_127 : i32
      scf.if %cond3A_128 {
        %dma_wait3A_144 = arith.constant 0 : i32
        %dma_wait3A_145 = arith.constant 0 : i32
        %dma_wait3A_146 = tpu.memref_slice %arg5[%dma_wait3A_144, %dma_wait3A_145] : memref<409600x128xf32, #tpu.memory_space<hbm>> -> memref<100x128xf32, #tpu.memory_space<hbm>>
        %dma_wait3A_147 = arith.constant 0 : i32
        %dma_wait3A_148 = arith.constant 0 : i32
        %dma_wait3A_149 = tpu.memref_slice %arg5[%dma_wait3A_147, %dma_wait3A_148] : memref<409600x128xf32, #tpu.memory_space<hbm>> -> memref<100x128xf32, #tpu.memory_space<hbm>>
        tpu.wait_dma2 semaphore(%arg15 : memref<!tpu.dma_semaphore, #tpu.memory_space<semaphore_mem>>) src(%arg13 : memref<100x128xf32, #tpu.memory_space<vmem>>) dst(%dma_wait3A_149 : memref<100x128xf32, #tpu.memory_space<hbm>>)
      } else {
      }
      %parallel_loop3A_129 = arith.constant 0 : i32
      %parallel_loop3A_130 = arith.constant 100 : i32
      %parallel_loop3A_131 = arith.constant 1 : i32
      scf.for %parallel_loop3A_144 = %parallel_loop3A_129 to %parallel_loop3A_130 step %parallel_loop3A_131  : i32 {
        %parallel_loop3A_145 = arith.constant 2 : i32
        %parallel_loop3A_146 = arith.muli %parallel_loop3A_145, %parallel_loop3A_144 : i32
        %parallel_loop3A_147 = arith.constant 0 : i32
        %parallel_loop3A_148 = arith.addi %parallel_loop3A_146, %parallel_loop3A_147 : i32
        %parallel_loop3A_149 = arith.index_cast %parallel_loop3A_148 : i32 to index
        %parallel_loop3A_150 = arith.constant 0 : index
        %parallel_loop3A_151 = tpu.vector_load %arg11[%parallel_loop3A_149, %parallel_loop3A_150] {strides = array<i32>} : memref<200x64xf32, #tpu.memory_space<vmem>>, vector<1x16xf32>,
        %parallel_loop3A_152 = vector.shape_cast %parallel_loop3A_151 : vector<1x16xf32> to vector<16xf32>
        %parallel_loop3A_153 = arith.index_cast %parallel_loop3A_148 : i32 to index
        %parallel_loop3A_154 = arith.constant 0 : index
        %parallel_loop3A_155 = tpu.vector_load %arg9[%parallel_loop3A_153, %parallel_loop3A_154] {strides = array<i32>} : memref<200x64xf32, #tpu.memory_space<vmem>>, vector<1x16xf32>,
        %parallel_loop3A_156 = vector.shape_cast %parallel_loop3A_155 : vector<1x16xf32> to vector<16xf32>
        %parallel_loop3A_157 = arith.addf %parallel_loop3A_152, %parallel_loop3A_156 : vector<16xf32>
        %parallel_loop3A_158 = arith.index_cast %parallel_loop3A_144 : i32 to index
        %parallel_loop3A_159 = arith.constant 0 : index
        %parallel_loop3A_160 = tpu.vector_load %arg13[%parallel_loop3A_158, %parallel_loop3A_159] {strides = array<i32>} : memref<100x128xf32, #tpu.memory_space<vmem>>, vector<1x16xf32>,
        %parallel_loop3A_161 = vector.shape_cast %parallel_loop3A_160 : vector<1x16xf32> to vector<16xf32>
        %parallel_loop3A_162 = vector.shape_cast %parallel_loop3A_157 : vector<16xf32> to vector<1x16xf32>
        tpu.vector_store %arg13[%parallel_loop3A_158, %parallel_loop3A_159], %parallel_loop3A_162 {strides = array<i32>} : memref<100x128xf32, #tpu.memory_space<vmem>>, vector<1x16xf32>,
        %parallel_loop3A_163 = arith.index_cast %parallel_loop3A_148 : i32 to index
        %parallel_loop3A_164 = arith.constant 16 : index
        %parallel_loop3A_165 = tpu.vector_load %arg11[%parallel_loop3A_163, %parallel_loop3A_164] {strides = array<i32>} : memref<200x64xf32, #tpu.memory_space<vmem>>, vector<1x16xf32>,
        %parallel_loop3A_166 = vector.shape_cast %parallel_loop3A_165 : vector<1x16xf32> to vector<16xf32>
        %parallel_loop3A_167 = arith.index_cast %parallel_loop3A_148 : i32 to index
        %parallel_loop3A_168 = arith.constant 16 : index
        %parallel_loop3A_169 = tpu.vector_load %arg9[%parallel_loop3A_167, %parallel_loop3A_168] {strides = array<i32>} : memref<200x64xf32, #tpu.memory_space<vmem>>, vector<1x16xf32>,
        %parallel_loop3A_170 = vector.shape_cast %parallel_loop3A_169 : vector<1x16xf32> to vector<16xf32>
        %parallel_loop3A_171 = arith.addf %parallel_loop3A_166, %parallel_loop3A_170 : vector<16xf32>
        %parallel_loop3A_172 = arith.index_cast %parallel_loop3A_144 : i32 to index
        %parallel_loop3A_173 = arith.constant 16 : index
        %parallel_loop3A_174 = tpu.vector_load %arg13[%parallel_loop3A_172, %parallel_loop3A_173] {strides = array<i32>} : memref<100x128xf32, #tpu.memory_space<vmem>>, vector<1x16xf32>,
        %parallel_loop3A_175 = vector.shape_cast %parallel_loop3A_174 : vector<1x16xf32> to vector<16xf32>
        %parallel_loop3A_176 = vector.shape_cast %parallel_loop3A_171 : vector<16xf32> to vector<1x16xf32>
        tpu.vector_store %arg13[%parallel_loop3A_172, %parallel_loop3A_173], %parallel_loop3A_176 {strides = array<i32>} : memref<100x128xf32, #tpu.memory_space<vmem>>, vector<1x16xf32>,
        %parallel_loop3A_177 = arith.index_cast %parallel_loop3A_148 : i32 to index
        %parallel_loop3A_178 = arith.constant 32 : index
        %parallel_loop3A_179 = tpu.vector_load %arg11[%parallel_loop3A_177, %parallel_loop3A_178] {strides = array<i32>} : memref<200x64xf32, #tpu.memory_space<vmem>>, vector<1x16xf32>,
        %parallel_loop3A_180 = vector.shape_cast %parallel_loop3A_179 : vector<1x16xf32> to vector<16xf32>
        %parallel_loop3A_181 = arith.index_cast %parallel_loop3A_148 : i32 to index
        %parallel_loop3A_182 = arith.constant 32 : index
        %parallel_loop3A_183 = tpu.vector_load %arg9[%parallel_loop3A_181, %parallel_loop3A_182] {strides = array<i32>} : memref<200x64xf32, #tpu.memory_space<vmem>>, vector<1x16xf32>,
        %parallel_loop3A_184 = vector.shape_cast %parallel_loop3A_183 : vector<1x16xf32> to vector<16xf32>
        %parallel_loop3A_185 = arith.addf %parallel_loop3A_180, %parallel_loop3A_184 : vector<16xf32>
        %parallel_loop3A_186 = arith.index_cast %parallel_loop3A_144 : i32 to index
        %parallel_loop3A_187 = arith.constant 32 : index
        %parallel_loop3A_188 = tpu.vector_load %arg13[%parallel_loop3A_186, %parallel_loop3A_187] {strides = array<i32>} : memref<100x128xf32, #tpu.memory_space<vmem>>, vector<1x16xf32>,
        %parallel_loop3A_189 = vector.shape_cast %parallel_loop3A_188 : vector<1x16xf32> to vector<16xf32>
        %parallel_loop3A_190 = vector.shape_cast %parallel_loop3A_185 : vector<16xf32> to vector<1x16xf32>
        tpu.vector_store %arg13[%parallel_loop3A_186, %parallel_loop3A_187], %parallel_loop3A_190 {strides = array<i32>} : memref<100x128xf32, #tpu.memory_space<vmem>>, vector<1x16xf32>,
        %parallel_loop3A_191 = arith.index_cast %parallel_loop3A_148 : i32 to index
        %parallel_loop3A_192 = arith.constant 48 : index
        %parallel_loop3A_193 = tpu.vector_load %arg11[%parallel_loop3A_191, %parallel_loop3A_192] {strides = array<i32>} : memref<200x64xf32, #tpu.memory_space<vmem>>, vector<1x16xf32>,
        %parallel_loop3A_194 = vector.shape_cast %parallel_loop3A_193 : vector<1x16xf32> to vector<16xf32>
        %parallel_loop3A_195 = arith.index_cast %parallel_loop3A_148 : i32 to index
        %parallel_loop3A_196 = arith.constant 48 : index
        %parallel_loop3A_197 = tpu.vector_load %arg9[%parallel_loop3A_195, %parallel_loop3A_196] {strides = array<i32>} : memref<200x64xf32, #tpu.memory_space<vmem>>, vector<1x16xf32>,
        %parallel_loop3A_198 = vector.shape_cast %parallel_loop3A_197 : vector<1x16xf32> to vector<16xf32>
        %parallel_loop3A_199 = arith.addf %parallel_loop3A_194, %parallel_loop3A_198 : vector<16xf32>
        %parallel_loop3A_200 = arith.index_cast %parallel_loop3A_144 : i32 to index
        %parallel_loop3A_201 = arith.constant 48 : index
        %parallel_loop3A_202 = tpu.vector_load %arg13[%parallel_loop3A_200, %parallel_loop3A_201] {strides = array<i32>} : memref<100x128xf32, #tpu.memory_space<vmem>>, vector<1x16xf32>,
        %parallel_loop3A_203 = vector.shape_cast %parallel_loop3A_202 : vector<1x16xf32> to vector<16xf32>
        %parallel_loop3A_204 = vector.shape_cast %parallel_loop3A_199 : vector<16xf32> to vector<1x16xf32>
        tpu.vector_store %arg13[%parallel_loop3A_200, %parallel_loop3A_201], %parallel_loop3A_204 {strides = array<i32>} : memref<100x128xf32, #tpu.memory_space<vmem>>, vector<1x16xf32>,
        %parallel_loop3A_205 = arith.constant 2 : i32
        %parallel_loop3A_206 = arith.muli %parallel_loop3A_205, %parallel_loop3A_144 : i32
        %parallel_loop3A_207 = arith.constant 1 : i32
        %parallel_loop3A_208 = arith.addi %parallel_loop3A_206, %parallel_loop3A_207 : i32
        %parallel_loop3A_209 = arith.index_cast %parallel_loop3A_208 : i32 to index
        %parallel_loop3A_210 = arith.constant 0 : index
        %parallel_loop3A_211 = tpu.vector_load %arg11[%parallel_loop3A_209, %parallel_loop3A_210] {strides = array<i32>} : memref<200x64xf32, #tpu.memory_space<vmem>>, vector<1x16xf32>,
        %parallel_loop3A_212 = vector.shape_cast %parallel_loop3A_211 : vector<1x16xf32> to vector<16xf32>
        %parallel_loop3A_213 = arith.index_cast %parallel_loop3A_208 : i32 to index
        %parallel_loop3A_214 = arith.constant 0 : index
        %parallel_loop3A_215 = tpu.vector_load %arg9[%parallel_loop3A_213, %parallel_loop3A_214] {strides = array<i32>} : memref<200x64xf32, #tpu.memory_space<vmem>>, vector<1x16xf32>,
        %parallel_loop3A_216 = vector.shape_cast %parallel_loop3A_215 : vector<1x16xf32> to vector<16xf32>
        %parallel_loop3A_217 = arith.addf %parallel_loop3A_212, %parallel_loop3A_216 : vector<16xf32>
        %parallel_loop3A_218 = arith.index_cast %parallel_loop3A_144 : i32 to index
        %parallel_loop3A_219 = arith.constant 64 : index
        %parallel_loop3A_220 = tpu.vector_load %arg13[%parallel_loop3A_218, %parallel_loop3A_219] {strides = array<i32>} : memref<100x128xf32, #tpu.memory_space<vmem>>, vector<1x16xf32>,
        %parallel_loop3A_221 = vector.shape_cast %parallel_loop3A_220 : vector<1x16xf32> to vector<16xf32>
        %parallel_loop3A_222 = vector.shape_cast %parallel_loop3A_217 : vector<16xf32> to vector<1x16xf32>
        tpu.vector_store %arg13[%parallel_loop3A_218, %parallel_loop3A_219], %parallel_loop3A_222 {strides = array<i32>} : memref<100x128xf32, #tpu.memory_space<vmem>>, vector<1x16xf32>,
        %parallel_loop3A_223 = arith.index_cast %parallel_loop3A_208 : i32 to index
        %parallel_loop3A_224 = arith.constant 16 : index
        %parallel_loop3A_225 = tpu.vector_load %arg11[%parallel_loop3A_223, %parallel_loop3A_224] {strides = array<i32>} : memref<200x64xf32, #tpu.memory_space<vmem>>, vector<1x16xf32>,
        %parallel_loop3A_226 = vector.shape_cast %parallel_loop3A_225 : vector<1x16xf32> to vector<16xf32>
        %parallel_loop3A_227 = arith.index_cast %parallel_loop3A_208 : i32 to index
        %parallel_loop3A_228 = arith.constant 16 : index
        %parallel_loop3A_229 = tpu.vector_load %arg9[%parallel_loop3A_227, %parallel_loop3A_228] {strides = array<i32>} : memref<200x64xf32, #tpu.memory_space<vmem>>, vector<1x16xf32>,
        %parallel_loop3A_230 = vector.shape_cast %parallel_loop3A_229 : vector<1x16xf32> to vector<16xf32>
        %parallel_loop3A_231 = arith.addf %parallel_loop3A_226, %parallel_loop3A_230 : vector<16xf32>
        %parallel_loop3A_232 = arith.index_cast %parallel_loop3A_144 : i32 to index
        %parallel_loop3A_233 = arith.constant 80 : index
        %parallel_loop3A_234 = tpu.vector_load %arg13[%parallel_loop3A_232, %parallel_loop3A_233] {strides = array<i32>} : memref<100x128xf32, #tpu.memory_space<vmem>>, vector<1x16xf32>,
        %parallel_loop3A_235 = vector.shape_cast %parallel_loop3A_234 : vector<1x16xf32> to vector<16xf32>
        %parallel_loop3A_236 = vector.shape_cast %parallel_loop3A_231 : vector<16xf32> to vector<1x16xf32>
        tpu.vector_store %arg13[%parallel_loop3A_232, %parallel_loop3A_233], %parallel_loop3A_236 {strides = array<i32>} : memref<100x128xf32, #tpu.memory_space<vmem>>, vector<1x16xf32>,
        %parallel_loop3A_237 = arith.index_cast %parallel_loop3A_208 : i32 to index
        %parallel_loop3A_238 = arith.constant 32 : index
        %parallel_loop3A_239 = tpu.vector_load %arg11[%parallel_loop3A_237, %parallel_loop3A_238] {strides = array<i32>} : memref<200x64xf32, #tpu.memory_space<vmem>>, vector<1x16xf32>,
        %parallel_loop3A_240 = vector.shape_cast %parallel_loop3A_239 : vector<1x16xf32> to vector<16xf32>
        %parallel_loop3A_241 = arith.index_cast %parallel_loop3A_208 : i32 to index
        %parallel_loop3A_242 = arith.constant 32 : index
        %parallel_loop3A_243 = tpu.vector_load %arg9[%parallel_loop3A_241, %parallel_loop3A_242] {strides = array<i32>} : memref<200x64xf32, #tpu.memory_space<vmem>>, vector<1x16xf32>,
        %parallel_loop3A_244 = vector.shape_cast %parallel_loop3A_243 : vector<1x16xf32> to vector<16xf32>
        %parallel_loop3A_245 = arith.addf %parallel_loop3A_240, %parallel_loop3A_244 : vector<16xf32>
        %parallel_loop3A_246 = arith.index_cast %parallel_loop3A_144 : i32 to index
        %parallel_loop3A_247 = arith.constant 96 : index
        %parallel_loop3A_248 = tpu.vector_load %arg13[%parallel_loop3A_246, %parallel_loop3A_247] {strides = array<i32>} : memref<100x128xf32, #tpu.memory_space<vmem>>, vector<1x16xf32>,
        %parallel_loop3A_249 = vector.shape_cast %parallel_loop3A_248 : vector<1x16xf32> to vector<16xf32>
        %parallel_loop3A_250 = vector.shape_cast %parallel_loop3A_245 : vector<16xf32> to vector<1x16xf32>
        tpu.vector_store %arg13[%parallel_loop3A_246, %parallel_loop3A_247], %parallel_loop3A_250 {strides = array<i32>} : memref<100x128xf32, #tpu.memory_space<vmem>>, vector<1x16xf32>,
        %parallel_loop3A_251 = arith.index_cast %parallel_loop3A_208 : i32 to index
        %parallel_loop3A_252 = arith.constant 48 : index
        %parallel_loop3A_253 = tpu.vector_load %arg11[%parallel_loop3A_251, %parallel_loop3A_252] {strides = array<i32>} : memref<200x64xf32, #tpu.memory_space<vmem>>, vector<1x16xf32>,
        %parallel_loop3A_254 = vector.shape_cast %parallel_loop3A_253 : vector<1x16xf32> to vector<16xf32>
        %parallel_loop3A_255 = arith.index_cast %parallel_loop3A_208 : i32 to index
        %parallel_loop3A_256 = arith.constant 48 : index
        %parallel_loop3A_257 = tpu.vector_load %arg9[%parallel_loop3A_255, %parallel_loop3A_256] {strides = array<i32>} : memref<200x64xf32, #tpu.memory_space<vmem>>, vector<1x16xf32>,
        %parallel_loop3A_258 = vector.shape_cast %parallel_loop3A_257 : vector<1x16xf32> to vector<16xf32>
        %parallel_loop3A_259 = arith.addf %parallel_loop3A_254, %parallel_loop3A_258 : vector<16xf32>
        %parallel_loop3A_260 = arith.index_cast %parallel_loop3A_144 : i32 to index
        %parallel_loop3A_261 = arith.constant 112 : index
        %parallel_loop3A_262 = tpu.vector_load %arg13[%parallel_loop3A_260, %parallel_loop3A_261] {strides = array<i32>} : memref<100x128xf32, #tpu.memory_space<vmem>>, vector<1x16xf32>,
        %parallel_loop3A_263 = vector.shape_cast %parallel_loop3A_262 : vector<1x16xf32> to vector<16xf32>
        %parallel_loop3A_264 = vector.shape_cast %parallel_loop3A_259 : vector<16xf32> to vector<1x16xf32>
        tpu.vector_store %arg13[%parallel_loop3A_260, %parallel_loop3A_261], %parallel_loop3A_264 {strides = array<i32>} : memref<100x128xf32, #tpu.memory_space<vmem>>, vector<1x16xf32>,
      } {sc.loop_unroll_factor = 10 : i64, sc.parallel_access}
      %mul3A_132 = arith.constant 100 : i32
      %mul3A_133 = arith.muli %add3A_103, %mul3A_132 : i32
      %add3A_134 = arith.addi %mul3A_4, %mul3A_133 : i32
      %dma_start3A_135 = arith.constant 0 : i32
      %dma_start3A_136 = tpu.memref_slice %arg5[%add3A_134, %dma_start3A_135] : memref<409600x128xf32, #tpu.memory_space<hbm>> -> memref<100x128xf32, #tpu.memory_space<hbm>>
      %dma_start3A_137 = arith.constant 0 : i32
      %dma_start3A_138 = tpu.memref_slice %arg5[%add3A_134, %dma_start3A_137] : memref<409600x128xf32, #tpu.memory_space<hbm>> -> memref<100x128xf32, #tpu.memory_space<hbm>>
      tpu.enqueue_dma source(%arg13 : memref<100x128xf32, #tpu.memory_space<vmem>>) target(%dma_start3A_138 : memref<100x128xf32, #tpu.memory_space<hbm>>) target_semaphore(%arg15 : memref<!tpu.dma_semaphore, #tpu.memory_space<semaphore_mem>>)
      %lt3A_139 = arith.constant 63 : i32
      %lt3A_140 = arith.cmpi slt, %scan3A_60, %lt3A_139 : i32
      %convert_element_type3A_141 = arith.extui %lt3A_140 : i1 to i32
      %cond3A_142 = arith.constant 0 : i32
      %cond3A_143 = arith.cmpi ne, %convert_element_type3A_141, %cond3A_142 : i32
      scf.if %cond3A_143 {
        %add3A_144 = arith.constant 2 : i32
        %add3A_145 = arith.addi %add3A_103, %add3A_144 : i32
        %mul3A_146 = arith.constant 2 : i32
        %mul3A_147 = arith.muli %add3A_145, %mul3A_146 : i32
        %add3A_148 = arith.constant 0 : i32
        %add3A_149 = arith.addi %mul3A_147, %add3A_148 : i32
        %dma_start3A_150 = arith.constant 0 : i32
        %dma_start3A_151 = arith.constant 0 : i32
        %dma_start3A_152 = tpu.memref_slice %arg11[%dma_start3A_150, %dma_start3A_151] : memref<200x64xf32, #tpu.memory_space<vmem>> -> memref<100x64xf32, #tpu.memory_space<vmem>>
        %dma_start3A_153 = arith.constant 0 : i32
        %dma_start3A_154 = tpu.memref_slice %arg8[%add3A_149, %dma_start3A_153] : memref<256x100xi32, #tpu.memory_space<vmem>> -> memref<1x100xi32, #tpu.memory_space<vmem>>
        %dma_start3A_155 = tpu.memref_squeeze %dma_start3A_154 : memref<1x100xi32, #tpu.memory_space<vmem>> -> memref<100xi32, #tpu.memory_space<vmem>>
        %dma_start3A_156 = arith.constant 0 : i32
        %dma_start3A_157 = arith.constant 0 : i32
        %dma_start3A_158 = tpu.memref_slice %arg3[%dma_start3A_156, %dma_start3A_157] : memref<1000000x64xf32, #tpu.memory_space<hbm>> -> memref<1000000x64xf32, #tpu.memory_space<hbm>>
        tpu.enqueue_indirect_dma source(%dma_start3A_158 : memref<1000000x64xf32, #tpu.memory_space<hbm>>) target(%dma_start3A_152 : memref<100x64xf32, #tpu.memory_space<vmem>>) offsets(%dma_start3A_155 : memref<100xi32, #tpu.memory_space<vmem>>) semaphore(%arg7 : memref<!tpu.dma_semaphore, #tpu.memory_space<semaphore_mem>>)
        %mul3A_159 = arith.constant 2 : i32
        %mul3A_160 = arith.muli %add3A_145, %mul3A_159 : i32
        %add3A_161 = arith.constant 1 : i32
        %add3A_162 = arith.addi %mul3A_160, %add3A_161 : i32
        %dma_start3A_163 = arith.constant 100 : i32
        %dma_start3A_164 = arith.constant 0 : i32
        %dma_start3A_165 = tpu.memref_slice %arg11[%dma_start3A_163, %dma_start3A_164] : memref<200x64xf32, #tpu.memory_space<vmem>> -> memref<100x64xf32, #tpu.memory_space<vmem>>
        %dma_start3A_166 = arith.constant 0 : i32
        %dma_start3A_167 = tpu.memref_slice %arg8[%add3A_162, %dma_start3A_166] : memref<256x100xi32, #tpu.memory_space<vmem>> -> memref<1x100xi32, #tpu.memory_space<vmem>>
        %dma_start3A_168 = tpu.memref_squeeze %dma_start3A_167 : memref<1x100xi32, #tpu.memory_space<vmem>> -> memref<100xi32, #tpu.memory_space<vmem>>
        %dma_start3A_169 = arith.constant 0 : i32
        %dma_start3A_170 = arith.constant 0 : i32
        %dma_start3A_171 = tpu.memref_slice %arg3[%dma_start3A_169, %dma_start3A_170] : memref<1000000x64xf32, #tpu.memory_space<hbm>> -> memref<1000000x64xf32, #tpu.memory_space<hbm>>
        tpu.enqueue_indirect_dma source(%dma_start3A_171 : memref<1000000x64xf32, #tpu.memory_space<hbm>>) target(%dma_start3A_165 : memref<100x64xf32, #tpu.memory_space<vmem>>) offsets(%dma_start3A_168 : memref<100xi32, #tpu.memory_space<vmem>>) semaphore(%arg7 : memref<!tpu.dma_semaphore, #tpu.memory_space<semaphore_mem>>)
      } else {
      }
    }
    %scan3A_48 = arith.constant 64 : i32
    %dma_wait3A = arith.constant 0 : i32
    %dma_wait3A_49 = arith.constant 0 : i32
    %dma_wait3A_50 = tpu.memref_slice %arg5[%dma_wait3A, %dma_wait3A_49] : memref<409600x128xf32, #tpu.memory_space<hbm>> -> memref<100x128xf32, #tpu.memory_space<hbm>>
    %dma_wait3A_51 = arith.constant 0 : i32
    %dma_wait3A_52 = arith.constant 0 : i32
    %dma_wait3A_53 = tpu.memref_slice %arg5[%dma_wait3A_51, %dma_wait3A_52] : memref<409600x128xf32, #tpu.memory_space<hbm>> -> memref<100x128xf32, #tpu.memory_space<hbm>>
    tpu.wait_dma2 semaphore(%arg14 : memref<!tpu.dma_semaphore, #tpu.memory_space<semaphore_mem>>) src(%arg12 : memref<100x128xf32, #tpu.memory_space<vmem>>) dst(%dma_wait3A_53 : memref<100x128xf32, #tpu.memory_space<hbm>>)
    %dma_wait3A_54 = arith.constant 0 : i32
    %dma_wait3A_55 = arith.constant 0 : i32
    %dma_wait3A_56 = tpu.memref_slice %arg5[%dma_wait3A_54, %dma_wait3A_55] : memref<409600x128xf32, #tpu.memory_space<hbm>> -> memref<100x128xf32, #tpu.memory_space<hbm>>
    %dma_wait3A_57 = arith.constant 0 : i32
    %dma_wait3A_58 = arith.constant 0 : i32
    %dma_wait3A_59 = tpu.memref_slice %arg5[%dma_wait3A_57, %dma_wait3A_58] : memref<409600x128xf32, #tpu.memory_space<hbm>> -> memref<100x128xf32, #tpu.memory_space<hbm>>
    tpu.wait_dma2 semaphore(%arg15 : memref<!tpu.dma_semaphore, #tpu.memory_space<semaphore_mem>>) src(%arg13 : memref<100x128xf32, #tpu.memory_space<vmem>>) dst(%dma_wait3A_59 : memref<100x128xf32, #tpu.memory_space<hbm>>)
    return
  }
}

</mosaic_0001>

<sc_bundles>
// kernel: _sc_embed.3.cloned.1.call-start
scs
__scs_entry_jumppad:
0x0: {  	(pc) =	sbr.rel $0x88, $3  }
0x1: {  	(tag) =	ssettag $0x0;
	lr =	simm.s32 $0x1  }
0x2: {  	[smem:$0x3F9E] =	sst lr;
	_ =	strace $0xD0000000  }
0x3: {  	_ = 	snop  }
0x4: {  	_ = 	snop  }
0x5: {  	_ = 	snop  }
0x6: {  	_ = 	snop  }
0x7: {  	_ = 	snop  }
__scs_overlays_trampoline_lowered:
0x8: {  	[smem:$0x3FAD] =	sst s0  }
0x9: {  	[smem:$0x3FAE] =	sst s1  }
0xa: {  	[smem:$0x3FAF] =	sst s2  }
0xb: {  	[smem:$0x3FB0] =	sst s3  }
0xc: {  	[smem:$0x3FB1] =	sst s4  }
0xd: {  	[smem:$0x3FB2] =	sst s5  }
0xe: {  	[smem:$0x3FB3] =	sst s6  }
0xf: {  	[smem:$0x3FB4] =	sst s7  }
0x10: {  	[smem:$0x3FB5] =	sst s8  }
0x11: {  	[smem:$0x3FB6] =	sst s9;
	s0 =	simm.s32 @!p0 $0x0  }
0x12: {  	s1 =	sld [smem:$0x3F9C];
	s0 =	simm.s32 @p0 $0x1  }
0x13: {  	[smem:$0x3FB7] =	sst s0;
	s0 =	simm.s32 @!p1 $0x0  }
0x14: {  	s2 =	sld [smem:$0x3F9B];
	s0 =	simm.s32 @p1 $0x1  }
0x15: {  	[smem:$0x3FB8] =	sst s0;
	s0 =	simm.s32 @!p2 $0x0  }
0x16: {  	s3 =	sld [smem:$0x3FDB];
	s0 =	simm.s32 @p2 $0x1  }
0x17: {  	s4 =	simm.s32 $0x1BF5;
	[smem:$0x3FBA] =	sst s0  }
0x18: {  	s0 =	sld [smem:$0x3F9D];
	_ =	swait.ge [sflag:s4], $0x0  }
0x19: {  	s7 =	sld [smem:$0x3F9E]  }
0x1a: {  	s8 =	sadd.s32 $0xFFFFE003, lr  }
0x1b: {  	s9 =	sadd.s32 $0xFFFFFEF7, lr;
	s5 =	simm.s32 $0xFFFFFFFF;
	p2 =	slt.u32 s8, $0xFFFFF086  }
0x1c: {  	p1 =	slt.u32 s9, $0xF7A;
	s5 =	simm.s32 @!p2 $0x0  }
0x1d: {  	s5 =	simm.s32 @p1 $0x1;
	p0 =	seq.s32 s7, s2  }
0x1e: {  	s7 =	smul.u32 @!p0 $0xF7A, s2;
	p2 =	seq.s32 @!p0 s5, $0x0  }
0x1f: {  	s9 =	smul.u32 $0xF7A, s1;
	s8 =	simm.s32 @!p0 $0x1BF5;
	p2 =	por !p2, p0  }
0x20: {  	[sflag:s8] =	ssyncset.s32 @!p0 $0xFFFFF086;
	s6 =	sadd.s32 @!p0 s3, s7;
	s7 =	simm.s32 @!p0 $0x108  }
0x21: {  	s3 =	sadd.s32 s3, s9;
	s6 =	sadd.s32 @!p0 $0x88, s6;
	s7 =	simm.s32 @p2 $0x1082  }
0x22: {  	[simem:s7], [sflag:s8] =	dma.local @!p0 [hbm:s6], $0xF7A  }
0x23: {  	s9 =	sor.u32 $0xD0000000, s2;
	s6 =	simm.s32 $0x108;
	_ =	swait.ge @!p0 [sflag:s8], $0x0  }
0x24: {  	s3 =	sadd.s32 $0x88, s3;
	s6 =	simm.s32 @!p1 $0x1082;
	[sflag:s4] =	ssyncset.s32 $0xFFFFF086  }
0x25: {  	[simem:s6], [sflag:s4] =	dma.local [hbm:s3], $0xF7A  }
0x26: {  	[smem:$0x3F9E] =	sst s1;
	(tag) =	ssettag s2;
	_ =	strace s9  }
0x27: {  	s1 =	sld [smem:$0x3FAE]  }
0x28: {  	s2 =	sld [smem:$0x3FAF]  }
0x29: {  	s4 =	sld [smem:$0x3FB1]  }
0x2a: {  	p0 =	seq.s32 s5, $0x0;
	s5 =	sld [smem:$0x3FB2]  }
0x2b: {  	s6 =	sld [smem:$0x3FB3]  }
0x2c: {  	s7 =	sld [smem:$0x3FB4]  }
0x2d: {  	s3 =	simm.s32 $0x108;
	s8 =	sld [smem:$0x3FB5]  }
0x2e: {  	s3 =	simm.s32 @!p0 $0x1082;
	s9 =	sld [smem:$0x3FB6]  }
0x2f: {  	lr =	sadd.s32 s0, s3;
	s0 =	sld [smem:$0x3FAD]  }
0x30: {  	s3 =	sld [smem:$0x3FB0]  }
0x31: {  	[smem:$0x3FB9] =	sst s10  }
0x32: {  	s10 =	sld [smem:$0x3FB7];
	_ =	sdelay $0x3  }
0x33: {  	p0 =	seq.s32 s10, $0x1;
	s10 =	sld [smem:$0x3FB9];
	_ =	sdelay $0x3  }
0x34: {  	[smem:$0x3FB9] =	sst s10  }
0x35: {  	s10 =	sld [smem:$0x3FB8];
	_ =	sdelay $0x3  }
0x36: {  	p1 =	seq.s32 s10, $0x1;
	s10 =	sld [smem:$0x3FB9];
	_ =	sdelay $0x3  }
0x37: {  	[smem:$0x3FB9] =	sst s10  }
0x38: {  	s10 =	sld [smem:$0x3FBA]  }
0x39: {  	_ = 	snop;
	(pc) =	sbr.ind lr, $3  }
0x3a: {  	_ = 	snop  }
0x3b: {  	_ = 	snop  }
0x3c: {  	p2 =	seq.s32 s10, $0x1;
	s10 =	sld [smem:$0x3FB9]  }
0x3d: {  	_ =	shalt  }
0x3e: {  	_ =	shalt  }
0x3f: {  	_ =	shalt  }
0x40: {  	_ =	shalt  }
0x41: {  	_ =	shalt  }
0x42: {  	_ =	shalt  }
0x43: {  	_ =	shalt  }
0x44: {  	_ =	shalt  }
0x45: {  	_ =	shalt  }
0x46: {  	_ =	shalt  }
0x47: {  	_ =	shalt  }
0x48: {  	_ =	shalt  }
0x49: {  	_ =	shalt  }
0x4a: {  	_ =	shalt  }
0x4b: {  	_ =	shalt  }
0x4c: {  	_ =	shalt  }
0x4d: {  	_ =	shalt  }
0x4e: {  	_ =	shalt  }
0x4f: {  	_ =	shalt  }
0x50: {  	_ =	shalt  }
0x51: {  	_ =	shalt  }
0x52: {  	_ =	shalt  }
0x53: {  	_ =	shalt  }
0x54: {  	_ =	shalt  }
0x55: {  	_ =	shalt  }
0x56: {  	_ =	shalt  }
0x57: {  	_ =	shalt  }
0x58: {  	_ =	shalt  }
0x59: {  	_ =	shalt  }
0x5a: {  	_ =	shalt  }
0x5b: {  	_ =	shalt  }
0x5c: {  	_ =	shalt  }
0x5d: {  	_ =	shalt  }
0x5e: {  	_ =	shalt  }
0x5f: {  	_ =	shalt  }
0x60: {  	_ =	shalt  }
0x61: {  	_ =	shalt  }
0x62: {  	_ =	shalt  }
0x63: {  	_ =	shalt  }
0x64: {  	_ =	shalt  }
0x65: {  	_ =	shalt  }
0x66: {  	_ =	shalt  }
0x67: {  	_ =	shalt  }
0x68: {  	_ =	shalt  }
0x69: {  	_ =	shalt  }
0x6a: {  	_ =	shalt  }
0x6b: {  	_ =	shalt  }
0x6c: {  	_ =	shalt  }
0x6d: {  	_ =	shalt  }
0x6e: {  	_ =	shalt  }
0x6f: {  	_ =	shalt  }
0x70: {  	_ =	shalt  }
0x71: {  	_ =	shalt  }
0x72: {  	_ =	shalt  }
0x73: {  	_ =	shalt  }
0x74: {  	_ =	shalt  }
0x75: {  	_ =	shalt  }
0x76: {  	_ =	shalt  }
0x77: {  	_ =	shalt  }
0x78: {  	_ =	shalt  }
0x79: {  	_ =	shalt  }
0x7a: {  	_ =	shalt  }
0x7b: {  	_ =	shalt  }
0x7c: {  	_ =	shalt  }
0x7d: {  	_ =	shalt  }
0x7e: {  	_ =	shalt  }
0x7f: {  	_ =	shalt  }
0x80: {  	_ =	shalt  }
0x81: {  	_ =	shalt  }
0x82: {  	_ =	shalt  }
0x83: {  	_ =	shalt  }
0x84: {  	_ =	shalt  }
0x85: {  	_ =	shalt  }
0x86: {  	_ =	shalt  }
0x87: {  	_ =	shalt  }
.Lfunc_end0:
.L_simem_size_0:
called_computation_lowered:
.L_overlay_start_0:
0x88: {  	s2 =	sld [smem:$0x3FD9]  }
0x89: {  	s3 =	sld [smem:$0x3FFE];
	_ =	sdelay $0x1  }
0x8a: {  	s1 =	srdreg.scid  }
0x8b: {  	s0 =	sand.u32 $0x1, s1  }
0x8c: {  	s17 =	sshll.u32 s0, $0xA;
	s2 =	sadd.s32 s3, s2  }
0x8d: {  	s2 =	sadd.s32 s2, s17  }
0x8e: {  	[smem:$0x3FC5] =	sst s2  }
0x8f: {  	_ = 	snop  }
0x90: {  	s2 =	sld [smem:$0x3FD0];
	(tm) =	ssettm $0x1  }
0x91: {  	s18 =	sld [smem:$0x3FFB];
	_ =	sdelay $0x3  }
0x92: {  	_ =	strace s18  }
0x93: {  	s3 =	sld [smem:$0x3FFC];
	_ =	sdelay $0x3  }
0x94: {  	_ =	strace s3  }
0x95: {  	s3 =	sld [smem:$0x3FFD];
	_ =	sdelay $0x3  }
0x96: {  	_ =	strace s3  }
0x97: {  	_ =	strace $0x8FFFFFFF  }
0x98: {  	s19 =	sld [smem:$0x3FDB];
	_ =	sdelay $0x1  }
0x99: {  	s4 =	simm.s32 $_scs_section_size  }
0x9a: {  	s5 =	simm.s32 $_size__tile_overlayer_lowered;
	s6 =	simm.s32 $_tile_overlayer_lowered  }
0x9b: {  	s22 =	simm.s32 $0x1BFF;
	s21 =	sshll.u32 s6, $0x1;
	s3 =	sadd.s32 s4, s19  }
0x9c: {  	s7 =	simm.s32 $0x0;
	s20 =	sshll.u32 s5, $0x1;
	s5 =	sadd.s32 s21, s3  }
0x9d: {  	[timem:s7], [sflag:s22] =	dma.local [hbm:s5], s20  }
0x9e: {  	_ =	swait.ge [sflag:s22], s20  }
0x9f: {  	s4 =	ssub.s32 $0x0, s20;
	[sflag:s22] =	ssyncset.done $0x0  }
0xa0: {  	[sflag:s22] =	ssyncadd.s32 s4;
	_ =	sdelay $0x1  }
0xa1: {  	s23 =	simm.s32 $0x1B8B  }
0xa2: {  	_ =	swait.ge [sflag:s23], $0x1  }
0xa3: {  	[sflag:s23] =	ssyncset.done $0x0  }
0xa4: {  	s25 =	simm.s32 $0x1B8E;
	s24 =	sld [smem:$0x3FFE];
	[sflag:s23] =	ssyncadd.s32 $0xFFFFFFFF  }
0xa5: {  	s26 =	simm.s32 $execute0_lowered;
	[smem:$0x3FD2] =	sst s25  }
0xa6: {  	s5 =	sshll.u32 s26, $0x1;
	_ =	strace $0x80000046;
	[dreg:$0x1] =	wrdreg $0xFFFFFFFF  }
0xa7: {  	s28 =	simm.s32 $_size_execute0_lowered;
	s3 =	sadd.s32 s3, s5;
	[dreg:$0x0] =	wrdreg $0x0  }
0xa8: {  	s5 =	sshll.u32 s28, $0x1;
	[dreg:$0x2] =	wrdreg s3  }
0xa9: {  	[dreg:$0x3] =	wrdreg s5  }
0xaa: {  	[dreg:$0x4] =	wrdreg $0xC0  }
0xab: {  	_ =	task [dreg:s7], $0x5FFFF  }
0xac: {  	[dreg:$0x1] =	wrdreg $0xFFFFFFFF  }
0xad: {  	[dreg:$0x0] =	wrdreg $0x60  }
0xae: {  	[dreg:$0x2] =	wrdreg s24  }
0xaf: {  	[dreg:$0x3] =	wrdreg s2  }
0xb0: {  	[dreg:$0x4] =	wrdreg $0x9  }
0xb1: {  	_ =	task.clear_ibuf [dreg:s7], $0x5FFFF;
	_ =	strace $0x90000046  }
0xb2: {  	s29 =	simm.s32 $0x9;
	_ =	strace $0x80000048  }
0xb3: {  	_ =	swait.ge [sflag:s29], $0x1  }
0xb4: {  	[sflag:s29] =	ssyncadd.s32 $0xFFFFFFFF  }
0xb5: {  	_ =	strace $0x90000048  }
0xb6: {  	_ =	sfence  }
0xb7: {  	s30 =	sld [smem:$0x0];
	_ =	sdelay $0x2  }
0xb8: {  	s31 =	sshll.u32 s1, $0xD;
	s1 =	sshrl.u32 s1, $0x2  }
0xb9: {  	s3 =	sand.u32 $0x4000, s31;
	s1 =	sadd.s32 s1, s30  }
0xba: {  	s0 =	sor.u32 s3, s0;
	s1 =	sshll.u32 s1, $0x11  }
0xbb: {  	s0 =	sor.u32 s1, s0  }
0xbc: {  	s0 =	sadd.s32 $0x8F2B, s0  }
0xbd: {  	[sflag:s0] =	ssyncadd.remote.s32 $0x1  }
0xbe: {  	_ =	sfence.sel $0xFFFF  }
0xbf: {  	[dreg:$0x0] =	wrdreg $0xFFFFFFFF;
	(pc) =	sbr.abs _section_cstart, $3  }
0xc0: {  	[dreg:$0x1] =	wrdreg $0xFFFFFFFF  }
0xc1: {  	_ =	task.clear_ibuf [dreg:s7], $0x2FFFF;
	_ =	strace $0x9FFFFFFF  }
0xc2: {  	(tm) =	ssettm $0x7FFFFFFF  }
0xc3: {  	_ =	shalt  }
tec
execute0_lowered:
.L_overlay_start_1:
0x0: {  	(tag) =	ssettag $0x1  }
0x1: {  	s0 =	rddreg [dreg:$0x0]  }
0x2: {  	s1 =	srdreg.scid;
	s3 =	stileid.u32  }
0x3: {  	s2 =	rddreg [dreg:$0x1];
	s10 =	simm.s32 $0x5;
	s12 =	simm.s32 $0x64  }
0x4: {  	s15 =	simm.s32 $0xB300;
	s16 =	simm.s32 $0xD0;
	s17 =	simm.s32 $0xCC00  }
0x5: {  	s18 =	simm.s32 $0x138;
	s19 =	simm.s32 $0xE500;
	s20 =	simm.s32 $0x1  }
0x6: {  	s21 =	simm.s32 $0xFE00;
	s22 =	simm.s32 $0x2;
	s23 =	simm.s32 $0x13000  }
0x7: {  	s24 =	simm.s32 $0x3;
	s25 =	simm.s32 $0x4;
	s26 =	simm.s32 $0x0  }
0x8: {  	s1 =	sand.u32 $0x1, s1;
	s4 =	sshll.u32 s3, $0x1;
	s3 =	simm.s32 $0x0  }
.Ltmp0:
0x9: {  	s6 =	sadd.s32 $0x1A800, s0;
	s4 =	sor.u32 s1, s4;
	(pc) =	sbr.rel .LBB2_1-.Ltmp0, $4  }
0xa: {  	[smem:$0x7FF] =	sst s3;
	s1 =	ssub.s32 $0x2, s1;
	s5 =	smul.u32 $0xD00, s4  }
0xb: {  	_ =	strace $0x80000047;
	s4 =	smul.u32 $0x3200, s4;
	s31 =	sshrl.u32 s1, $0x1  }
0xc: {  	s7 =	sadd.s32 s5, s0;
	s5 =	sadd.s32 $0xF42C00, s0;
	s0 =	ssub.s32 s1, s31  }
0xd: {  	s8 =	sor.u32 $0x64, s4;
	s7 =	sadd.s32 $0x800, s7;
	s9 =	smax.u32 s0, $0x1  }
.LBB2_8:
0xe: {  	s26 =	sadd.s32 $0x1, s26  }
0xf: {  	_ =	swait.ge [sflag:s24], $0x3200;
	p0 =	sne.s32 s26, s9  }
.Ltmp1:
0x10: {  	[sflag:s24] =	ssyncset.done $0x0;
	(pc) =	sbr.rel @!p0 .LBB2_9-.Ltmp1, $4  }
0x11: {  	[sflag:s24] =	ssyncadd.s32 $0xFFFFCE00  }
0x12: {  	_ =	swait.ge [sflag:s25], $0x3200  }
0x13: {  	[sflag:s25] =	ssyncset.done $0x0  }
0x14: {  	[sflag:s25] =	ssyncadd.s32 $0xFFFFCE00  }
.LBB2_1:
0x15: {  	[tilespmem:s3], [sflag:$0x5] =	stream.linear.gather [hbm4b:s7+s3], $0x6800, $0x38;
	[tilespmem:$0x16200] =	vst v63  }
0x16: {  	_ =	swait.ge [sflag:s10], $0x6800  }
0x17: {  	[sflag:s10] =	ssyncset.done $0x0  }
0x18: {  	s0 =	simm.s32 $0x6800;
	[sflag:s10] =	ssyncadd.s32 $0xFFFF9800  }
0x19: {  	[tilespmem:s0], [sflag:$0x5] =	stream.linear.gather [hbm4b:s6+s3], $0x3200, $0x38;
	[tilespmem:$0x16200] =	vst v63  }
0x1a: {  	_ =	swait.ge [sflag:s10], $0x3200  }
0x1b: {  	[sflag:s10] =	ssyncset.done $0x0  }
0x1c: {  	s30 =	simm.s32 $0x9A00;
	[sflag:s10] =	ssyncadd.s32 $0xFFFFCE00  }
0x1d: {  	[tilespmem:s30], [sflag:$0x1] =	stream.indirect.gather [hbm4b:s5+s12], $0x40, s3, s12, $0xb8;
	[tilespmem:$0x16200] =	vst v63  }
0x1e: {  	s31 =	simm.s32 $0x68  }
0x1f: {  	[tilespmem:s15], [sflag:$0x1] =	stream.indirect.gather [hbm4b:s5+s12], $0x40, s31, s12, $0xb8;
	[tilespmem:$0x16200] =	vst v63  }
0x20: {  	_ = 	snop  }
0x21: {  	[tilespmem:s17], [sflag:$0x2] =	stream.indirect.gather [hbm4b:s5+s12], $0x40, s16, s12, $0xb8;
	[tilespmem:$0x16200] =	vst v63  }
0x22: {  	s28 =	simm.s32 $0x0  }
0x23: {  	[tilespmem:s19], [sflag:$0x2] =	stream.indirect.gather [hbm4b:s5+s12], $0x40, s18, s12, $0xb8;
	[tilespmem:$0x16200] =	vst v63  }
.LBB2_2:
0x24: {  	_ =	swait.ge [sflag:s20], $0x1900  }
0x25: {  	[sflag:s20] =	ssyncset.done $0x0  }
0x26: {  	[sflag:s20] =	ssyncadd.s32 $0xFFFFE700  }
0x27: {  	_ =	swait.ge [sflag:s20], $0x1900  }
0x28: {  	p0 =	seq.s32 s28, $0x0;
	[sflag:s20] =	ssyncset.done $0x0  }
0x29: {  	s0 =	simm.s32 @!p0 $0x3;
	[sflag:s20] =	ssyncadd.s32 $0xFFFFE700  }
0x2a: {  	_ =	swait.ge @!p0 [sflag:s0], $0x3200  }
0x2b: {  	[sflag:s0] =	ssyncset.done @!p0 $0x0  }
0x2c: {  	s30 =	simm.s32 $0x0;
	[sflag:s0] =	ssyncadd.s32 @!p0 $0xFFFFCE00  }
0x2d: {  	v1 =	vld [tilespmem:s30+$0x69F0]  }
0x2e: {  	v5 =	vld [tilespmem:s30+$0x9BF0]  }
0x2f: {  	v0 =	vld [tilespmem:s30+$0x6930]  }
0x30: {  	v2 =	vld [tilespmem:s30+$0x69E0]  }
0x31: {  	v4 =	vld [tilespmem:s30+$0x69A0]  }
0x32: {  	v6 =	vld [tilespmem:s30+$0x9E80]  }
0x33: {  	v7 =	vld [tilespmem:s30+$0x9E00]  }
0x34: {  	v3 =	vld [tilespmem:s30+$0x6B80]  }
0x35: {  	v8 =	vld [tilespmem:s30+$0x6A80]  }
0x36: {  	v9 =	vld [tilespmem:s30+$0x6A00]  }
0x37: {  	v10 =	vld [tilespmem:s30+$0x9D80]  }
0x38: {  	v11 =	vld [tilespmem:s30+$0x6B00]  }
0x39: {  	v12 =	vld [tilespmem:s30+$0x6C80]  }
0x3a: {  	v13 =	vld [tilespmem:s30+$0x9D00]  }
0x3b: {  	v14 =	vld [tilespmem:s30+$0x9C80]  }
0x3c: {  	v15 =	vld [tilespmem:s30+$0x9C00]  }
0x3d: {  	v16 =	vld [tilespmem:s30+$0x6C00]  }
0x3e: {  	v49 =	vld [tilespmem:s30+$0x6810]  }
0x3f: {  	v18 =	vld [tilespmem:s30+$0x9A10]  }
0x40: {  	v20 =	vld [tilespmem:s30+$0x9A30]  }
0x41: {  	v57 =	vld [tilespmem:s30+$0x9A20]  }
0x42: {  	v22 =	vld [tilespmem:s30+$0x9A60]  }
0x43: {  	v25 =	vld [tilespmem:s30+$0x9A90];
	v10 =	vadd.f32 v3, v10  }
0x44: {  	s1 =	simm.s32 $0x380;
	v3 =	vld [tilespmem:s30+$0x6970]  }
0x45: {  	v6 =	vadd.f32 v12, v6;
	v1 =	vadd.f32 v1, v5;
	v5 =	vld [tilespmem:s30+$0x9B70];
	[tilespmem:s1+$0xFE00] =	vst v10  }
0x46: {  	s13 =	simm.s32 $0x480;
	v28 =	vadd.f32 v11, v13;
	v29 =	vld [tilespmem:s30+$0x9D90]  }
0x47: {  	s0 =	simm.s32 $0x300;
	v8 =	vadd.f32 v8, v14;
	[tilespmem:s13+$0xFE00] =	vst v6;
	v30 =	vld [tilespmem:s30+$0x6B90]  }
0x48: {  	s11 =	simm.s32 $0x280;
	v7 =	vadd.f32 v16, v7;
	[tilespmem:s0+$0xFE00] =	vst v28;
	v31 =	vld [tilespmem:s30+$0x9E90]  }
0x49: {  	s14 =	simm.s32 $0x400;
	[tilespmem:s11+$0xFE00] =	vst v8;
	v8 =	vld [tilespmem:s30+$0x9D10]  }
0x4a: {  	[tilespmem:s14+$0xFE00] =	vst v7;
	v32 =	vld [tilespmem:s30+$0x9C90]  }
0x4b: {  	v7 =	vld [tilespmem:s30+$0x9E10]  }
0x4c: {  	v35 =	vld [tilespmem:s30+$0x6C10]  }
0x4d: {  	[tilespmem:s30+$0xFFF0] =	vst v1;
	v1 =	vld [tilespmem:s30+$0x6A90]  }
0x4e: {  	v6 =	vadd.f32 v9, v15;
	v36 =	vld [tilespmem:s30+$0x6B10]  }
0x4f: {  	s31 =	simm.s32 $0x200;
	v37 =	vld [tilespmem:s30+$0x6C90]  }
0x50: {  	[tilespmem:s31+$0xFE00] =	vst v6;
	v6 =	vld [tilespmem:s30+$0x9BB0]  }
0x51: {  	v33 =	vld [tilespmem:s30+$0x9C10]  }
0x52: {  	v34 =	vld [tilespmem:s30+$0x6A10];
	v7 =	vadd.f32 v35, v7  }
0x53: {  	v1 =	vadd.f32 v1, v32;
	v35 =	vld [tilespmem:s30+$0x9A40]  }
0x54: {  	[tilespmem:s14+$0xFE10] =	vst v7;
	v7 =	vadd.f32 v30, v29;
	v29 =	vld [tilespmem:s30+$0x6820]  }
0x55: {  	[tilespmem:s11+$0xFE10] =	vst v1;
	v1 =	vadd.f32 v36, v8;
	v36 =	vld [tilespmem:s30+$0x6830]  }
0x56: {  	v40 =	vld [tilespmem:s30+$0x9E20]  }
0x57: {  	v13 =	vadd.f32 v34, v33;
	v8 =	vld [tilespmem:s30+$0x6C20]  }
0x58: {  	v41 =	vld [tilespmem:s30+$0x6AA0]  }
0x59: {  	v34 =	vld [tilespmem:s30+$0x9CA0];
	[tilespmem:s31+$0xFE10] =	vst v13  }
0x5a: {  	[tilespmem:s1+$0xFE10] =	vst v7;
	v7 =	vadd.f32 v37, v31;
	v31 =	vadd.f32 v49, v18;
	v49 =	vld [tilespmem:s30+$0x9AC0]  }
0x5b: {  	v38 =	vld [tilespmem:s30+$0x9C20]  }
0x5c: {  	v39 =	vld [tilespmem:s30+$0x6A20]  }
0x5d: {  	[tilespmem:s0+$0xFE10] =	vst v1;
	v1 =	vld [tilespmem:s30+$0x9DA0]  }
0x5e: {  	v44 =	vld [tilespmem:s30+$0x6BA0]  }
0x5f: {  	v42 =	vld [tilespmem:s30+$0x9D20]  }
0x60: {  	v47 =	vld [tilespmem:s30+$0x6B20];
	[tilespmem:s13+$0xFE10] =	vst v7  }
0x61: {  	[tilespmem:s30+$0xFE10] =	vst v31;
	v31 =	vld [tilespmem:s30+$0x9B00]  }
0x62: {  	v43 =	vld [tilespmem:s30+$0x6CA0]  }
0x63: {  	v13 =	vadd.f32 v44, v1;
	v1 =	vld [tilespmem:s30+$0x6800]  }
0x64: {  	v8 =	vadd.f32 v8, v40;
	v7 =	vadd.f32 v39, v38;
	v38 =	vld [tilespmem:s30+$0x6840]  }
0x65: {  	v44 =	vld [tilespmem:s30+$0x6880]  }
0x66: {  	v12 =	vadd.f32 v41, v34;
	[tilespmem:s14+$0xFE20] =	vst v8;
	v9 =	vadd.f32 v47, v42;
	v47 =	vld [tilespmem:s30+$0x68B0]  }
0x67: {  	v8 =	vld [tilespmem:s30+$0x9E30]  }
0x68: {  	[tilespmem:s11+$0xFE20] =	vst v12;
	v46 =	vld [tilespmem:s30+$0x6C30]  }
0x69: {  	v12 =	vld [tilespmem:s30+$0x9CB0]  }
0x6a: {  	v39 =	vld [tilespmem:s30+$0x6AB0]  }
0x6b: {  	[tilespmem:s31+$0xFE20] =	vst v7;
	v7 =	vld [tilespmem:s30+$0x9EA0]  }
0x6c: {  	v45 =	vld [tilespmem:s30+$0x6A30]  }
0x6d: {  	[tilespmem:s1+$0xFE20] =	vst v13;
	v48 =	vld [tilespmem:s30+$0x9C30]  }
0x6e: {  	v13 =	vld [tilespmem:s30+$0x9DB0]  }
0x6f: {  	[tilespmem:s0+$0xFE20] =	vst v9;
	v17 =	vld [tilespmem:s30+$0x6BB0]  }
0x70: {  	v56 =	vld [tilespmem:s30+$0x9D30]  }
0x71: {  	v61 =	vld [tilespmem:s30+$0x6B30]  }
0x72: {  	v14 =	vadd.f32 v46, v8;
	v8 =	vld [tilespmem:s30+$0x6860]  }
0x73: {  	v46 =	vld [tilespmem:s30+$0x9AB0]  }
0x74: {  	v12 =	vadd.f32 v39, v12;
	v39 =	vld [tilespmem:s30+$0x6960]  }
0x75: {  	v10 =	vadd.f32 v43, v7;
	v7 =	vld [tilespmem:s30+$0x9BD0]  }
0x76: {  	v43 =	vld [tilespmem:s30+$0x9A80]  }
0x77: {  	v50 =	vadd.f32 v17, v13;
	v17 =	vld [tilespmem:s30+$0x6850]  }
0x78: {  	[tilespmem:s14+$0xFE30] =	vst v14;
	v11 =	vadd.f32 v45, v48;
	v45 =	vld [tilespmem:s30+$0x6890]  }
0x79: {  	v14 =	vld [tilespmem:s30+$0x9E40]  }
0x7a: {  	[tilespmem:s11+$0xFE30] =	vst v12;
	v51 =	vld [tilespmem:s30+$0x6C40]  }
0x7b: {  	[tilespmem:s13+$0xFE20] =	vst v10;
	v26 =	vld [tilespmem:s30+$0x9CC0]  }
0x7c: {  	v10 =	vld [tilespmem:s30+$0x9EB0]  }
0x7d: {  	v53 =	vld [tilespmem:s30+$0x6CB0]  }
0x7e: {  	[tilespmem:s31+$0xFE30] =	vst v11;
	v11 =	vadd.f32 v29, v57;
	v29 =	vld [tilespmem:s30+$0x6AC0]  }
0x7f: {  	[tilespmem:s1+$0xFE30] =	vst v50;
	v50 =	vld [tilespmem:s30+$0x68C0]  }
0x80: {  	v57 =	vld [tilespmem:s30+$0x9B10]  }
0x81: {  	v52 =	vld [tilespmem:s30+$0x9C40]  }
0x82: {  	v54 =	vld [tilespmem:s30+$0x9DC0]  }
0x83: {  	v19 =	vld [tilespmem:s30+$0x6BC0]  }
0x84: {  	v55 =	vld [tilespmem:s30+$0x6A40];
	[tilespmem:s30+$0xFE20] =	vst v11;
	v11 =	vadd.f32 v38, v35  }
0x85: {  	v38 =	vld [tilespmem:s30+$0x9B60]  }
0x86: {  	[tilespmem:s30+$0xFE40] =	vst v11;
	v11 =	vld [tilespmem:s30+$0x9A70]  }
0x87: {  	v10 =	vadd.f32 v53, v10;
	v53 =	vld [tilespmem:s30+$0x68D0]  }
0x88: {  	v13 =	vadd.f32 v51, v14;
	v15 =	vadd.f32 v19, v54;
	v19 =	vld [tilespmem:s30+$0x6920]  }
0x89: {  	v9 =	vadd.f32 v55, v52;
	v52 =	vld [tilespmem:s30+$0x9AD0]  }
0x8a: {  	[tilespmem:s14+$0xFE40] =	vst v13;
	v54 =	vld [tilespmem:s30+$0x9AE0]  }
0x8b: {  	v51 =	vadd.f32 v29, v26;
	v13 =	vld [tilespmem:s30+$0x9E50]  }
0x8c: {  	[tilespmem:s13+$0xFE30] =	vst v10;
	v58 =	vld [tilespmem:s30+$0x6C50]  }
0x8d: {  	[tilespmem:s11+$0xFE40] =	vst v51;
	v51 =	vld [tilespmem:s30+$0x6990]  }
0x8e: {  	v59 =	vld [tilespmem:s30+$0x9EC0]  }
0x8f: {  	v60 =	vld [tilespmem:s30+$0x6CC0]  }
0x90: {  	v55 =	vld [tilespmem:s30+$0x9CD0]  }
0x91: {  	[tilespmem:s31+$0xFE40] =	vst v9;
	v9 =	vadd.f32 v61, v56;
	v56 =	vld [tilespmem:s30+$0x6900]  }
0x92: {  	v61 =	vld [tilespmem:s30+$0x9B20]  }
0x93: {  	[tilespmem:s1+$0xFE40] =	vst v15;
	v62 =	vld [tilespmem:s30+$0x6A50]  }
0x94: {  	v21 =	vld [tilespmem:s30+$0x9DD0]  }
0x95: {  	v63 =	vld [tilespmem:s30+$0x6BD0]  }
0x96: {  	v28 =	vld [tilespmem:s30+$0x9C50];
	[tilespmem:s0+$0xFE30] =	vst v9  }
0x97: {  	v9 =	vld [tilespmem:s30+$0x9D40]  }
0x98: {  	v23 =	vld [tilespmem:s30+$0x6B40]  }
0x99: {  	v27 =	vadd.f32 v60, v59;
	v59 =	vld [tilespmem:s30+$0x6910]  }
0x9a: {  	v10 =	vadd.f32 v58, v13;
	v60 =	vld [tilespmem:s30+$0x9AF0]  }
0x9b: {  	v15 =	vadd.f32 v62, v28;
	v28 =	vld [tilespmem:s30+$0x68A0]  }
0x9c: {  	[tilespmem:s14+$0xFE50] =	vst v10;
	v62 =	vadd.f32 v56, v31;
	v56 =	vld [tilespmem:s30+$0x69B0]  }
0x9d: {  	v10 =	vld [tilespmem:s30+$0x9E60]  }
0x9e: {  	v30 =	vld [tilespmem:s30+$0x6C60]  }
0x9f: {  	[tilespmem:s13+$0xFE40] =	vst v27;
	v27 =	vld [tilespmem:s30+$0x9AA0]  }
0xa0: {  	v14 =	vld [tilespmem:s30+$0x6CD0]  }
0xa1: {  	v24 =	vld [tilespmem:s30+$0x9ED0]  }
0xa2: {  	[tilespmem:s31+$0xFE50] =	vst v15;
	v15 =	vadd.f32 v36, v20;
	v20 =	vld [tilespmem:s30+$0x9A50]  }
0xa3: {  	v13 =	vadd.f32 v63, v21;
	v9 =	vadd.f32 v23, v9;
	v23 =	vld [tilespmem:s30+$0x6870]  }
0xa4: {  	v21 =	vld [tilespmem:s30+$0x9C60]  }
0xa5: {  	[tilespmem:s1+$0xFE50] =	vst v13;
	v16 =	vld [tilespmem:s30+$0x6A60]  }
0xa6: {  	v32 =	vld [tilespmem:s30+$0x9DE0]  }
0xa7: {  	v33 =	vld [tilespmem:s30+$0x6BE0]  }
0xa8: {  	[tilespmem:s30+$0xFE30] =	vst v15;
	v15 =	vadd.f32 v44, v43;
	v43 =	vld [tilespmem:s30+$0x9B50]  }
0xa9: {  	v3 =	vadd.f32 v3, v5;
	[tilespmem:s0+$0xFE40] =	vst v9;
	v44 =	vld [tilespmem:s30+$0x6950]  }
0xaa: {  	v8 =	vadd.f32 v8, v22;
	v41 =	vld [tilespmem:s30+$0x6B50]  }
0xab: {  	[tilespmem:s30+$0xFF70] =	vst v3;
	v42 =	vld [tilespmem:s30+$0x9D50]  }
0xac: {  	[tilespmem:s30+$0xFE60] =	vst v8;
	v6 =	vadd.f32 v56, v6;
	v10 =	vadd.f32 v30, v10;
	v30 =	vld [tilespmem:s30+$0x6AD0]  }
0xad: {  	v12 =	vadd.f32 v45, v25;
	[tilespmem:s30+$0xFE80] =	vst v15;
	v15 =	vadd.f32 v47, v46;
	v46 =	vld [tilespmem:s30+$0x9B80]  }
0xae: {  	v14 =	vadd.f32 v14, v24;
	[tilespmem:s30+$0xFFB0] =	vst v6;
	v6 =	vld [tilespmem:s30+$0x9BE0]  }
0xaf: {  	[tilespmem:s30+$0xFE90] =	vst v12;
	v19 =	vadd.f32 v19, v61;
	v40 =	vadd.f32 v33, v32;
	v32 =	vld [tilespmem:s30+$0x68E0]  }
0xb0: {  	v33 =	vld [tilespmem:s30+$0x68F0];
	[tilespmem:s13+$0xFE50] =	vst v14  }
0xb1: {  	[tilespmem:s30+$0xFF20] =	vst v19;
	v48 =	vadd.f32 v28, v27;
	v14 =	vld [tilespmem:s30+$0x6CE0]  }
0xb2: {  	[tilespmem:s14+$0xFE60] =	vst v10;
	v37 =	vld [tilespmem:s30+$0x9EE0]  }
0xb3: {  	[tilespmem:s30+$0xFEA0] =	vst v48;
	v48 =	vld [tilespmem:s30+$0x6980]  }
0xb4: {  	[tilespmem:s30+$0xFF00] =	vst v62;
	v13 =	vld [tilespmem:s30+$0x9E70]  }
0xb5: {  	[tilespmem:s30+$0xFEB0] =	vst v15;
	v18 =	vld [tilespmem:s30+$0x6C70];
	v58 =	vadd.f32 v30, v55  }
0xb6: {  	v17 =	vadd.f32 v17, v20;
	[tilespmem:s1+$0xFE60] =	vst v40;
	v40 =	vld [tilespmem:s30+$0x9B40]  }
0xb7: {  	v9 =	vld [tilespmem:s30+$0x9DF0];
	[tilespmem:s11+$0xFE50] =	vst v58;
	v10 =	vadd.f32 v14, v37  }
0xb8: {  	[tilespmem:s30+$0xFE50] =	vst v17;
	v63 =	vld [tilespmem:s30+$0x9CE0];
	v14 =	vadd.f32 v41, v42  }
0xb9: {  	v11 =	vadd.f32 v23, v11;
	v36 =	vld [tilespmem:s30+$0x6AE0];
	[tilespmem:s13+$0xFE60] =	vst v10  }
0xba: {  	v16 =	vadd.f32 v16, v21;
	[tilespmem:s0+$0xFE50] =	vst v14;
	v10 =	vld [tilespmem:s30+$0x9EF0]  }
0xbb: {  	v15 =	vadd.f32 v39, v38;
	[tilespmem:s30+$0xFE70] =	vst v11;
	v27 =	vld [tilespmem:s30+$0x9D60]  }
0xbc: {  	[tilespmem:s31+$0xFE60] =	vst v16;
	v8 =	vadd.f32 v18, v13;
	v47 =	vld [tilespmem:s30+$0x6B60]  }
0xbd: {  	[tilespmem:s30+$0xFF60] =	vst v15;
	v37 =	vadd.f32 v59, v57;
	v14 =	vadd.f32 v50, v49;
	v41 =	vld [tilespmem:s30+$0x6CF0]  }
0xbe: {  	[tilespmem:s14+$0xFE70] =	vst v8;
	v49 =	vadd.f32 v53, v52;
	v53 =	vld [tilespmem:s30+$0x9BA0];
	v24 =	vadd.f32 v36, v63  }
0xbf: {  	v58 =	vld [tilespmem:s30+$0x9BC0];
	v8 =	vadd.f32 v32, v54;
	[tilespmem:s30+$0xFF10] =	vst v37  }
0xc0: {  	v42 =	vld [tilespmem:s30+$0x6940];
	[tilespmem:s11+$0xFE60] =	vst v24  }
0xc1: {  	[tilespmem:s30+$0xFEE0] =	vst v8;
	v45 =	vld [tilespmem:s30+$0x9CF0];
	v55 =	vadd.f32 v47, v27  }
0xc2: {  	[tilespmem:s30+$0xFEC0] =	vst v14;
	v54 =	vld [tilespmem:s30+$0x6AF0];
	v8 =	vadd.f32 v41, v10  }
0xc3: {  	v57 =	vld [tilespmem:s30+$0x69C0];
	v4 =	vadd.f32 v4, v53;
	[tilespmem:s0+$0xFE60] =	vst v55  }
0xc4: {  	v52 =	vadd.f32 v33, v60;
	[tilespmem:s13+$0xFE70] =	vst v8;
	v8 =	vadd.f32 v48, v46;
	v60 =	vld [tilespmem:s30+$0x9D70]  }
0xc5: {  	[tilespmem:s30+$0xFFA0] =	vst v4;
	v4 =	vadd.f32 v44, v43;
	v61 =	vld [tilespmem:s30+$0x6B70]  }
0xc6: {  	v62 =	vld [tilespmem:s30+$0x6A70];
	[tilespmem:s30+$0xFF80] =	vst v8;
	v8 =	vadd.f32 v42, v40  }
0xc7: {  	v50 =	vld [tilespmem:s30+$0x9B90];
	[tilespmem:s30+$0xFF50] =	vst v4;
	v4 =	vadd.f32 v54, v45  }
0xc8: {  	[tilespmem:s30+$0xFF40] =	vst v8;
	v8 =	vld [tilespmem:s30+$0x69D0]  }
0xc9: {  	v59 =	vld [tilespmem:s30+$0x9C70];
	[tilespmem:s11+$0xFE70] =	vst v4;
	v4 =	vadd.f32 v57, v58  }
0xca: {  	[tilespmem:s30+$0xFED0] =	vst v49;
	v63 =	vld [tilespmem:s30+$0x6BF0];
	v5 =	vadd.f32 v61, v60  }
0xcb: {  	[tilespmem:s30+$0xFFC0] =	vst v4;
	v4 =	vld [tilespmem:s30+$0x9A00]  }
0xcc: {  	v12 =	vadd.f32 v51, v50;
	[tilespmem:s0+$0xFE70] =	vst v5;
	v5 =	vld [tilespmem:s30+$0x9B30]  }
0xcd: {  	[tilespmem:s30+$0xFEF0] =	vst v52;
	v7 =	vadd.f32 v8, v7  }
0xce: {  	v6 =	vadd.f32 v2, v6;
	[tilespmem:s30+$0xFF90] =	vst v12  }
0xcf: {  	s29 =	simm.s32 $0xA;
	v3 =	vadd.f32 v62, v59;
	v2 =	vadd.f32 v63, v9;
	[tilespmem:s30+$0xFFD0] =	vst v7  }
.LBB2_3:
0xd0: {  	s0 =	sshll.u32 s29, $0x7;
	p1 =	slt.u32 s29, $0x5A;
	s29 =	sadd.s32 $0xA, s29;
	v1 =	vadd.f32 v1, v4;
	[tilespmem:s30+$0xFFE0] =	vst v6  }
0xd1: {  	v4 =	vld [tilespmem:s0+$0x69F0];
	v5 =	vadd.f32 v0, v5;
	[tilespmem:s1+$0xFE70] =	vst v2  }
0xd2: {  	v6 =	vld [tilespmem:s0+$0x9BF0];
	[tilespmem:s30+$0xFE00] =	vst v1  }
0xd3: {  	v0 =	vld [tilespmem:s0+$0x6930];
	[tilespmem:s30+$0xFF30] =	vst v5;
	s30 =	smov.u32 s0  }
0xd4: {  	v2 =	vld [tilespmem:s30+$0x69E0];
	[tilespmem:s31+$0xFE70] =	vst v3  }
0xd5: {  	v3 =	vld [tilespmem:s30+$0x69A0]  }
0xd6: {  	v1 =	vld [tilespmem:s30+$0x9E80]  }
0xd7: {  	v4 =	vadd.f32 v4, v6;
	v5 =	vld [tilespmem:s30+$0x9E00]  }
0xd8: {  	s31 =	sadd.s32 $0x200, s30;
	v6 =	vld [tilespmem:s30+$0x6B80]  }
0xd9: {  	[tilespmem:s30+$0xFFF0] =	vst v4;
	v7 =	vld [tilespmem:s30+$0x6A80]  }
0xda: {  	s11 =	sadd.s32 $0x280, s30;
	v8 =	vld [tilespmem:s30+$0x6A00]  }
0xdb: {  	v4 =	vld [tilespmem:s30+$0x9D80]  }
0xdc: {  	s0 =	sadd.s32 $0x300, s30;
	v9 =	vld [tilespmem:s30+$0x6B00]  }
0xdd: {  	v10 =	vld [tilespmem:s30+$0x6C80]  }
0xde: {  	s1 =	sadd.s32 $0x380, s30;
	v11 =	vld [tilespmem:s30+$0x9D00]  }
0xdf: {  	v12 =	vld [tilespmem:s30+$0x9C80]  }
0xe0: {  	s14 =	sadd.s32 $0x400, s30;
	v13 =	vld [tilespmem:s30+$0x9C00];
	v6 =	vadd.f32 v6, v4  }
0xe1: {  	s13 =	sadd.s32 $0x480, s30;
	v14 =	vld [tilespmem:s30+$0x6C00]  }
0xe2: {  	v4 =	vld [tilespmem:s30+$0x6970];
	[tilespmem:s1+$0xFE00] =	vst v6;
	v1 =	vadd.f32 v10, v1  }
0xe3: {  	v6 =	vadd.f32 v9, v11;
	v9 =	vld [tilespmem:s30+$0x9D90]  }
0xe4: {  	v7 =	vadd.f32 v7, v12;
	v10 =	vld [tilespmem:s30+$0x6B90];
	[tilespmem:s13+$0xFE00] =	vst v1  }
0xe5: {  	v1 =	vadd.f32 v8, v13;
	[tilespmem:s0+$0xFE00] =	vst v6;
	v11 =	vld [tilespmem:s30+$0x9E90]  }
0xe6: {  	[tilespmem:s11+$0xFE00] =	vst v7;
	v7 =	vld [tilespmem:s30+$0x9D10];
	v5 =	vadd.f32 v14, v5  }
0xe7: {  	[tilespmem:s31+$0xFE00] =	vst v1;
	v1 =	vld [tilespmem:s30+$0x9C90]  }
0xe8: {  	v8 =	vld [tilespmem:s30+$0x9C10]  }
0xe9: {  	v12 =	vld [tilespmem:s30+$0x6A10];
	v6 =	vadd.f32 v10, v9;
	[tilespmem:s14+$0xFE00] =	vst v5  }
0xea: {  	v9 =	vld [tilespmem:s30+$0x9E10]  }
0xeb: {  	[tilespmem:s1+$0xFE10] =	vst v6;
	v10 =	vld [tilespmem:s30+$0x6C10]  }
0xec: {  	v13 =	vld [tilespmem:s30+$0x6A90]  }
0xed: {  	v5 =	vld [tilespmem:s30+$0x9BB0]  }
0xee: {  	v6 =	vld [tilespmem:s30+$0x9B70];
	v8 =	vadd.f32 v12, v8  }
0xef: {  	v12 =	vld [tilespmem:s30+$0x6B10]  }
0xf0: {  	[tilespmem:s31+$0xFE10] =	vst v8;
	v8 =	vadd.f32 v10, v9;
	v9 =	vld [tilespmem:s30+$0x6C90]  }
0xf1: {  	v10 =	vld [tilespmem:s30+$0x9C20];
	v1 =	vadd.f32 v13, v1  }
0xf2: {  	v13 =	vld [tilespmem:s30+$0x6A20];
	[tilespmem:s14+$0xFE10] =	vst v8  }
0xf3: {  	[tilespmem:s11+$0xFE10] =	vst v1;
	v1 =	vld [tilespmem:s30+$0x9E20]  }
0xf4: {  	v7 =	vadd.f32 v12, v7;
	v12 =	vld [tilespmem:s30+$0x6C20]  }
0xf5: {  	v8 =	vld [tilespmem:s30+$0x6AA0];
	v9 =	vadd.f32 v9, v11  }
0xf6: {  	[tilespmem:s0+$0xFE10] =	vst v7;
	v7 =	vld [tilespmem:s30+$0x9DA0]  }
0xf7: {  	v10 =	vadd.f32 v13, v10;
	v11 =	vld [tilespmem:s30+$0x9D20];
	[tilespmem:s13+$0xFE10] =	vst v9  }
0xf8: {  	v9 =	vld [tilespmem:s30+$0x6CA0]  }
0xf9: {  	[tilespmem:s31+$0xFE20] =	vst v10;
	v10 =	vld [tilespmem:s30+$0x6BA0];
	v1 =	vadd.f32 v12, v1  }
0xfa: {  	v12 =	vld [tilespmem:s30+$0x9EA0]  }
0xfb: {  	v13 =	vld [tilespmem:s30+$0x6A30];
	[tilespmem:s14+$0xFE20] =	vst v1  }
0xfc: {  	v14 =	vld [tilespmem:s30+$0x9E30]  }
0xfd: {  	v15 =	vld [tilespmem:s30+$0x6C30]  }
0xfe: {  	v16 =	vld [tilespmem:s30+$0x6B20];
	v7 =	vadd.f32 v10, v7  }
0xff: {  	v1 =	vld [tilespmem:s30+$0x6800]  }
0x100: {  	v17 =	vld [tilespmem:s30+$0x9C30];
	[tilespmem:s1+$0xFE20] =	vst v7  }
0x101: {  	v18 =	vld [tilespmem:s30+$0x9DB0]  }
0x102: {  	v9 =	vadd.f32 v9, v12;
	v19 =	vld [tilespmem:s30+$0x6BB0]  }
0x103: {  	v12 =	vadd.f32 v15, v14;
	v7 =	vld [tilespmem:s30+$0x9BD0];
	v11 =	vadd.f32 v16, v11  }
0x104: {  	v10 =	vld [tilespmem:s30+$0x6860];
	[tilespmem:s13+$0xFE20] =	vst v9  }
0x105: {  	v9 =	vadd.f32 v13, v17;
	[tilespmem:s14+$0xFE30] =	vst v12;
	v12 =	vld [tilespmem:s30+$0x9EB0]  }
0x106: {  	[tilespmem:s0+$0xFE20] =	vst v11;
	v11 =	vld [tilespmem:s30+$0x9E40]  }
0x107: {  	v13 =	vld [tilespmem:s30+$0x6810];
	[tilespmem:s31+$0xFE30] =	vst v9;
	v9 =	vadd.f32 v19, v18  }
0x108: {  	v14 =	vld [tilespmem:s30+$0x9A10]  }
0x109: {  	[tilespmem:s1+$0xFE30] =	vst v9;
	v9 =	vld [tilespmem:s30+$0x6C40]  }
0x10a: {  	v15 =	vld [tilespmem:s30+$0x9C40]  }
0x10b: {  	v16 =	vld [tilespmem:s30+$0x6CB0]  }
0x10c: {  	v17 =	vld [tilespmem:s30+$0x9DC0]  }
0x10d: {  	v18 =	vld [tilespmem:s30+$0x6BC0]  }
0x10e: {  	v19 =	vld [tilespmem:s30+$0x6A40];
	v9 =	vadd.f32 v9, v11  }
0x10f: {  	v11 =	vld [tilespmem:s30+$0x9D30]  }
0x110: {  	v20 =	vld [tilespmem:s30+$0x9A30];
	[tilespmem:s14+$0xFE40] =	vst v9;
	v9 =	vadd.f32 v16, v12  }
0x111: {  	v12 =	vld [tilespmem:s30+$0x9A20]  }
0x112: {  	v16 =	vadd.f32 v18, v17;
	v17 =	vld [tilespmem:s30+$0x9E50];
	[tilespmem:s13+$0xFE30] =	vst v9  }
0x113: {  	v9 =	vadd.f32 v19, v15;
	v15 =	vld [tilespmem:s30+$0x6C50]  }
0x114: {  	[tilespmem:s1+$0xFE40] =	vst v16;
	v16 =	vld [tilespmem:s30+$0x9EC0]  }
0x115: {  	[tilespmem:s31+$0xFE40] =	vst v9;
	v9 =	vld [tilespmem:s30+$0x6CC0]  }
0x116: {  	v18 =	vld [tilespmem:s30+$0x6B30]  }
0x117: {  	v19 =	vld [tilespmem:s30+$0x6A50]  }
0x118: {  	v21 =	vld [tilespmem:s30+$0x9DD0];
	v15 =	vadd.f32 v15, v17  }
0x119: {  	v17 =	vld [tilespmem:s30+$0x6BD0]  }
0x11a: {  	v22 =	vld [tilespmem:s30+$0x9A60];
	[tilespmem:s14+$0xFE50] =	vst v15;
	v15 =	vadd.f32 v9, v16  }
0x11b: {  	v11 =	vadd.f32 v18, v11;
	v16 =	vld [tilespmem:s30+$0x9E60]  }
0x11c: {  	v18 =	vld [tilespmem:s30+$0x9C50]  }
0x11d: {  	v9 =	vld [tilespmem:s30+$0x6920];
	[tilespmem:s0+$0xFE30] =	vst v11  }
0x11e: {  	v11 =	vld [tilespmem:s30+$0x9D40];
	v17 =	vadd.f32 v17, v21;
	[tilespmem:s13+$0xFE40] =	vst v15  }
0x11f: {  	v15 =	vld [tilespmem:s30+$0x6CD0]  }
0x120: {  	v21 =	vld [tilespmem:s30+$0x6B40];
	[tilespmem:s1+$0xFE50] =	vst v17  }
0x121: {  	v17 =	vadd.f32 v19, v18;
	v18 =	vld [tilespmem:s30+$0x9ED0]  }
0x122: {  	v19 =	vld [tilespmem:s30+$0x6820]  }
0x123: {  	[tilespmem:s31+$0xFE50] =	vst v17;
	v17 =	vld [tilespmem:s30+$0x6C60]  }
0x124: {  	v23 =	vld [tilespmem:s30+$0x9C60]  }
0x125: {  	v13 =	vadd.f32 v13, v14;
	v14 =	vld [tilespmem:s30+$0x6A60];
	v11 =	vadd.f32 v21, v11  }
0x126: {  	v21 =	vld [tilespmem:s30+$0x9DE0]  }
0x127: {  	v12 =	vadd.f32 v19, v12;
	[tilespmem:s0+$0xFE40] =	vst v11;
	v11 =	vld [tilespmem:s30+$0x6BE0]  }
0x128: {  	v15 =	vadd.f32 v15, v18;
	[tilespmem:s30+$0xFE10] =	vst v13;
	v13 =	vld [tilespmem:s30+$0x9CA0];
	v16 =	vadd.f32 v17, v16  }
0x129: {  	[tilespmem:s30+$0xFE20] =	vst v12;
	v12 =	vld [tilespmem:s30+$0x9A40]  }
0x12a: {  	v17 =	vld [tilespmem:s30+$0x6830];
	v14 =	vadd.f32 v14, v23;
	[tilespmem:s13+$0xFE50] =	vst v15  }
0x12b: {  	[tilespmem:s14+$0xFE60] =	vst v16;
	v15 =	vld [tilespmem:s30+$0x6CE0]  }
0x12c: {  	[tilespmem:s31+$0xFE60] =	vst v14;
	v11 =	vadd.f32 v11, v21;
	v14 =	vld [tilespmem:s30+$0x9EE0]  }
0x12d: {  	v8 =	vadd.f32 v8, v13;
	v13 =	vld [tilespmem:s30+$0x9E70]  }
0x12e: {  	v16 =	vld [tilespmem:s30+$0x6840];
	[tilespmem:s1+$0xFE60] =	vst v11  }
0x12f: {  	v11 =	vadd.f32 v17, v20;
	v17 =	vld [tilespmem:s30+$0x9A50];
	[tilespmem:s11+$0xFE20] =	vst v8  }
0x130: {  	v18 =	vld [tilespmem:s30+$0x9CB0]  }
0x131: {  	[tilespmem:s30+$0xFE30] =	vst v11;
	v11 =	vld [tilespmem:s30+$0x6AB0];
	v8 =	vadd.f32 v15, v14  }
0x132: {  	v14 =	vld [tilespmem:s30+$0x6850]  }
0x133: {  	v12 =	vadd.f32 v16, v12;
	v15 =	vld [tilespmem:s30+$0x6B50];
	[tilespmem:s13+$0xFE60] =	vst v8  }
0x134: {  	v16 =	vld [tilespmem:s30+$0x9D50]  }
0x135: {  	[tilespmem:s30+$0xFE40] =	vst v12;
	v8 =	vld [tilespmem:s30+$0x9DF0]  }
0x136: {  	v11 =	vadd.f32 v11, v18;
	v12 =	vld [tilespmem:s30+$0x9EF0]  }
0x137: {  	v14 =	vadd.f32 v14, v17;
	v17 =	vld [tilespmem:s30+$0x9A70]  }
0x138: {  	v18 =	vld [tilespmem:s30+$0x6870];
	[tilespmem:s11+$0xFE30] =	vst v11  }
0x139: {  	v10 =	vadd.f32 v10, v22;
	[tilespmem:s30+$0xFE50] =	vst v14;
	v11 =	vld [tilespmem:s30+$0x9CC0];
	v14 =	vadd.f32 v15, v16  }
0x13a: {  	v15 =	vld [tilespmem:s30+$0x9AB0]  }
0x13b: {  	[tilespmem:s30+$0xFE60] =	vst v10;
	v10 =	vld [tilespmem:s30+$0x9A80]  }
0x13c: {  	v16 =	vld [tilespmem:s30+$0x6880];
	[tilespmem:s0+$0xFE50] =	vst v14  }
0x13d: {  	v14 =	vadd.f32 v18, v17;
	v17 =	vld [tilespmem:s30+$0x9A90]  }
0x13e: {  	v18 =	vld [tilespmem:s30+$0x6890]  }
0x13f: {  	[tilespmem:s30+$0xFE70] =	vst v14;
	v14 =	vld [tilespmem:s30+$0x9AA0]  }
0x140: {  	v19 =	vld [tilespmem:s30+$0x68A0]  }
0x141: {  	v10 =	vadd.f32 v16, v10;
	v16 =	vld [tilespmem:s30+$0x6AC0]  }
0x142: {  	v20 =	vld [tilespmem:s30+$0x6C70]  }
0x143: {  	[tilespmem:s30+$0xFE80] =	vst v10;
	v10 =	vadd.f32 v18, v17;
	v17 =	vld [tilespmem:s30+$0x9D60]  }
0x144: {  	v18 =	vld [tilespmem:s30+$0x68B0]  }
0x145: {  	[tilespmem:s30+$0xFE90] =	vst v10;
	v10 =	vadd.f32 v19, v14;
	v14 =	vld [tilespmem:s30+$0x9AC0]  }
0x146: {  	v19 =	vld [tilespmem:s30+$0x68C0];
	v11 =	vadd.f32 v16, v11  }
0x147: {  	[tilespmem:s30+$0xFEA0] =	vst v10;
	v10 =	vld [tilespmem:s30+$0x9AD0];
	v13 =	vadd.f32 v20, v13  }
0x148: {  	v16 =	vld [tilespmem:s30+$0x68D0];
	[tilespmem:s11+$0xFE40] =	vst v11  }
0x149: {  	v11 =	vadd.f32 v18, v15;
	v15 =	vld [tilespmem:s30+$0x9AE0];
	[tilespmem:s14+$0xFE70] =	vst v13  }
0x14a: {  	v13 =	vld [tilespmem:s30+$0x68E0]  }
0x14b: {  	[tilespmem:s30+$0xFEB0] =	vst v11;
	v11 =	vadd.f32 v19, v14;
	v14 =	vld [tilespmem:s30+$0x9CD0]  }
0x14c: {  	v18 =	vld [tilespmem:s30+$0x6AD0]  }
0x14d: {  	[tilespmem:s30+$0xFEC0] =	vst v11;
	v10 =	vadd.f32 v16, v10;
	v11 =	vld [tilespmem:s30+$0x9AF0]  }
0x14e: {  	v16 =	vld [tilespmem:s30+$0x68F0]  }
0x14f: {  	[tilespmem:s30+$0xFED0] =	vst v10;
	v10 =	vadd.f32 v13, v15;
	v13 =	vld [tilespmem:s30+$0x9B00]  }
0x150: {  	v15 =	vld [tilespmem:s30+$0x6900]  }
0x151: {  	[tilespmem:s30+$0xFEE0] =	vst v10;
	v10 =	vld [tilespmem:s30+$0x9B10];
	v14 =	vadd.f32 v18, v14  }
0x152: {  	v18 =	vld [tilespmem:s30+$0x6910]  }
0x153: {  	v11 =	vadd.f32 v16, v11;
	v16 =	vld [tilespmem:s30+$0x9B20];
	[tilespmem:s11+$0xFE50] =	vst v14  }
0x154: {  	v14 =	vld [tilespmem:s30+$0x9CE0]  }
0x155: {  	[tilespmem:s30+$0xFEF0] =	vst v11;
	v11 =	vadd.f32 v15, v13;
	v13 =	vld [tilespmem:s30+$0x6AE0]  }
0x156: {  	v15 =	vld [tilespmem:s30+$0x6CF0]  }
0x157: {  	[tilespmem:s30+$0xFF00] =	vst v11;
	v10 =	vadd.f32 v18, v10;
	v11 =	vld [tilespmem:s30+$0x9B60]  }
0x158: {  	v9 =	vadd.f32 v9, v16;
	v16 =	vld [tilespmem:s30+$0x6960]  }
0x159: {  	[tilespmem:s30+$0xFF10] =	vst v10;
	v10 =	vld [tilespmem:s30+$0x9B40]  }
0x15a: {  	[tilespmem:s30+$0xFF20] =	vst v9;
	v9 =	vld [tilespmem:s30+$0x6940];
	v13 =	vadd.f32 v13, v14  }
0x15b: {  	v14 =	vld [tilespmem:s30+$0x9B50];
	v12 =	vadd.f32 v15, v12  }
0x15c: {  	v15 =	vld [tilespmem:s30+$0x6950];
	[tilespmem:s11+$0xFE60] =	vst v13  }
0x15d: {  	v13 =	vld [tilespmem:s30+$0x9CF0];
	[tilespmem:s13+$0xFE70] =	vst v12  }
0x15e: {  	v12 =	vld [tilespmem:s30+$0x6AF0]  }
0x15f: {  	v9 =	vadd.f32 v9, v10;
	v10 =	vld [tilespmem:s30+$0x69C0]  }
0x160: {  	v18 =	vld [tilespmem:s30+$0x9B80]  }
0x161: {  	[tilespmem:s30+$0xFF40] =	vst v9;
	v9 =	vadd.f32 v15, v14;
	v14 =	vld [tilespmem:s30+$0x6B60]  }
0x162: {  	v15 =	vld [tilespmem:s30+$0x6980]  }
0x163: {  	[tilespmem:s30+$0xFF50] =	vst v9;
	v9 =	vadd.f32 v16, v11;
	v11 =	vld [tilespmem:s30+$0x9B90];
	v12 =	vadd.f32 v12, v13  }
0x164: {  	v13 =	vld [tilespmem:s30+$0x6990]  }
0x165: {  	v4 =	vadd.f32 v4, v6;
	[tilespmem:s30+$0xFF60] =	vst v9;
	v6 =	vld [tilespmem:s30+$0x9BA0]  }
0x166: {  	v9 =	vld [tilespmem:s30+$0x69B0];
	[tilespmem:s11+$0xFE70] =	vst v12;
	v12 =	vadd.f32 v14, v17  }
0x167: {  	[tilespmem:s30+$0xFF70] =	vst v4;
	v4 =	vadd.f32 v15, v18;
	v14 =	vld [tilespmem:s30+$0x9BC0]  }
0x168: {  	v15 =	vld [tilespmem:s30+$0x9C70];
	[tilespmem:s0+$0xFE60] =	vst v12  }
0x169: {  	[tilespmem:s30+$0xFF80] =	vst v4;
	v4 =	vadd.f32 v13, v11;
	v11 =	vld [tilespmem:s30+$0x9D70]  }
0x16a: {  	v3 =	vadd.f32 v3, v6;
	v6 =	vld [tilespmem:s30+$0x6B70]  }
0x16b: {  	[tilespmem:s30+$0xFF90] =	vst v4;
	v4 =	vadd.f32 v9, v5;
	v9 =	vld [tilespmem:s30+$0x6A70]  }
0x16c: {  	[tilespmem:s30+$0xFFA0] =	vst v3;
	v12 =	vld [tilespmem:s30+$0x69D0]  }
0x16d: {  	[tilespmem:s30+$0xFFB0] =	vst v4;
	v13 =	vld [tilespmem:s30+$0x9BE0]  }
0x16e: {  	v16 =	vld [tilespmem:s30+$0x6BF0]  }
.Ltmp2:
0x16f: {  	v10 =	vadd.f32 v10, v14;
	v4 =	vld [tilespmem:s30+$0x9A00];
	v11 =	vadd.f32 v6, v11;
	(pc) =	sbr.rel @p1 .LBB2_3-.Ltmp2, $4  }
0x170: {  	v5 =	vld [tilespmem:s30+$0x9B30];
	v3 =	vadd.f32 v9, v15  }
0x171: {  	[tilespmem:s30+$0xFFC0] =	vst v10;
	v7 =	vadd.f32 v12, v7  }
0x172: {  	v6 =	vadd.f32 v2, v13;
	[tilespmem:s0+$0xFE70] =	vst v11  }
0x173: {  	[tilespmem:s30+$0xFFD0] =	vst v7;
	v2 =	vadd.f32 v16, v8  }
0x174: {  	[tilespmem:s30+$0xFFE0] =	vst v6;
	s29 =	smul.u32 $0xC8, s28  }
0x175: {  	v1 =	vadd.f32 v1, v4;
	[tilespmem:s31+$0xFE70] =	vst v3  }
0x176: {  	v0 =	vadd.f32 v0, v5;
	[tilespmem:s1+$0xFE70] =	vst v2;
	s0 =	sadd.s32 s4, s29  }
0x177: {  	p1 =	seq.s32 s28, $0x3F;
	[tilespmem:s30+$0xFE00] =	vst v1;
	s0 =	sshll.u32 s0, $0x4  }
0x178: {  	s1 =	smul.u32 @!p1 $0x680, s28;
	[tilespmem:s30+$0xFF30] =	vst v0;
	s0 =	sadd.s32 s2, s0  }
0x179: {  	[hbm4b:s0+s3] =	stream.linear.scatter [tilespmem:s21], [sflag:$0x3], $0x3200, $0x38;
	[tilespmem:$0x16200] =	vst v63  }
0x17a: {  	s0 =	sshra.s32 @!p1 s1, $0x2  }
0x17b: {  	s11 =	simm.s32 @!p1 $0x64;
	s13 =	simm.s32 @!p1 $0x9A00;
	s1 =	sadd.s32 @!p1 $0x1A0, s0  }
0x17c: {  	[tilespmem:s13], [sflag:$0x1] =	stream.indirect.gather @!p1 [hbm4b:s5+s11], $0x40, s1, s11, $0xb8;
	[tilespmem:$0x16200] =	vst v63  }
0x17d: {  	s0 =	sadd.s32 @!p1 $0x208, s0;
	s1 =	simm.s32 @!p1 $0xB300  }
0x17e: {  	[tilespmem:s1], [sflag:$0x1] =	stream.indirect.gather @!p1 [hbm4b:s5+s11], $0x40, s0, s11, $0xb8;
	[tilespmem:$0x16200] =	vst v63  }
0x17f: {  	_ =	swait.ge [sflag:s22], $0x1900  }
0x180: {  	[sflag:s22] =	ssyncset.done $0x0  }
0x181: {  	[sflag:s22] =	ssyncadd.s32 $0xFFFFE700  }
0x182: {  	_ =	swait.ge [sflag:s22], $0x1900  }
0x183: {  	[sflag:s22] =	ssyncset.done $0x0  }
0x184: {  	s0 =	simm.s32 @!p0 $0x4;
	[sflag:s22] =	ssyncadd.s32 $0xFFFFE700  }
0x185: {  	_ =	swait.ge @!p0 [sflag:s0], $0x3200  }
0x186: {  	[sflag:s0] =	ssyncset.done @!p0 $0x0  }
0x187: {  	s30 =	simm.s32 $0x0;
	[sflag:s0] =	ssyncadd.s32 @!p0 $0xFFFFCE00  }
0x188: {  	v2 =	vld [tilespmem:s30+$0x6810]  }
0x189: {  	v0 =	vld [tilespmem:s30+$0x6CF0]  }
0x18a: {  	v4 =	vld [tilespmem:s30+$0x6800]  }
0x18b: {  	v3 =	vld [tilespmem:s30+$0x6CC0]  }
0x18c: {  	v5 =	vld [tilespmem:s30+$0x6B50]  }
0x18d: {  	v1 =	vld [tilespmem:s30+$0x6820]  }
0x18e: {  	v46 =	vld [tilespmem:s30+$0xCC30]  }
0x18f: {  	v7 =	vld [tilespmem:s30+$0x6830]  }
0x190: {  	v22 =	vld [tilespmem:s30+$0xCC40]  }
0x191: {  	v23 =	vld [tilespmem:s30+$0x6840]  }
0x192: {  	v18 =	vld [tilespmem:s30+$0xCC50]  }
0x193: {  	v19 =	vld [tilespmem:s30+$0x6850]  }
0x194: {  	v16 =	vld [tilespmem:s30+$0xCC60]  }
0x195: {  	v8 =	vld [tilespmem:s30+$0xCC80]  }
0x196: {  	v9 =	vld [tilespmem:s30+$0x6880]  }
0x197: {  	v10 =	vld [tilespmem:s30+$0xCC90]  }
0x198: {  	v11 =	vld [tilespmem:s30+$0x6890]  }
0x199: {  	v12 =	vld [tilespmem:s30+$0xCCA0]  }
0x19a: {  	v13 =	vld [tilespmem:s30+$0x68A0]  }
0x19b: {  	v47 =	vld [tilespmem:s30+$0xCCB0]  }
0x19c: {  	v14 =	vld [tilespmem:s30+$0x68B0]  }
0x19d: {  	v25 =	vld [tilespmem:s30+$0x6860]  }
0x19e: {  	v26 =	vld [tilespmem:s30+$0xCC70]  }
0x19f: {  	v27 =	vld [tilespmem:s30+$0x6870]  }
0x1a0: {  	v50 =	vld [tilespmem:s30+$0xCD00]  }
0x1a1: {  	v51 =	vld [tilespmem:s30+$0x6900]  }
0x1a2: {  	v15 =	vld [tilespmem:s30+$0xCD10]  }
0x1a3: {  	v20 =	vld [tilespmem:s30+$0x6910]  }
0x1a4: {  	v21 =	vld [tilespmem:s30+$0xCD20]  }
0x1a5: {  	v24 =	vld [tilespmem:s30+$0x6920]  }
0x1a6: {  	v28 =	vld [tilespmem:s30+$0xCD30]  }
0x1a7: {  	v29 =	vld [tilespmem:s30+$0x6930]  }
0x1a8: {  	v17 =	vld [tilespmem:s30+$0x68E0]  }
0x1a9: {  	v30 =	vld [tilespmem:s30+$0x68F0]  }
0x1aa: {  	v55 =	vld [tilespmem:s30+$0xCD80]  }
0x1ab: {  	v56 =	vld [tilespmem:s30+$0x6980]  }
0x1ac: {  	v31 =	vld [tilespmem:s30+$0xCD90]  }
0x1ad: {  	v32 =	vld [tilespmem:s30+$0x6990]  }
0x1ae: {  	v33 =	vld [tilespmem:s30+$0xCDA0]  }
0x1af: {  	v34 =	vld [tilespmem:s30+$0x69A0]  }
0x1b0: {  	v35 =	vld [tilespmem:s30+$0xCDB0]  }
0x1b1: {  	v36 =	vld [tilespmem:s30+$0x69B0]  }
0x1b2: {  	v37 =	vld [tilespmem:s30+$0xCE00]  }
0x1b3: {  	v38 =	vld [tilespmem:s30+$0x6A00]  }
0x1b4: {  	v39 =	vld [tilespmem:s30+$0xCE10]  }
0x1b5: {  	v40 =	vld [tilespmem:s30+$0x6A10]  }
0x1b6: {  	v41 =	vld [tilespmem:s30+$0xCE20]  }
0x1b7: {  	v42 =	vld [tilespmem:s30+$0x6A20]  }
0x1b8: {  	v60 =	vld [tilespmem:s30+$0xCE30]  }
0x1b9: {  	v43 =	vld [tilespmem:s30+$0x6A30]  }
0x1ba: {  	v44 =	vld [tilespmem:s30+$0x69F0]  }
0x1bb: {  	v45 =	vld [tilespmem:s30+$0xCE80]  }
0x1bc: {  	v63 =	vld [tilespmem:s30+$0xCEB0]  }
0x1bd: {  	v6 =	vadd.f32 v7, v46;
	v7 =	vld [tilespmem:s30+$0xCCC0]  }
0x1be: {  	v48 =	vadd.f32 v11, v10;
	v10 =	vld [tilespmem:s30+$0x68C0]  }
0x1bf: {  	v11 =	vld [tilespmem:s30+$0x68D0]  }
0x1c0: {  	v8 =	vadd.f32 v9, v8;
	v9 =	vld [tilespmem:s30+$0xCD40]  }
0x1c1: {  	v53 =	vadd.f32 v20, v15;
	v20 =	vld [tilespmem:s30+$0xCCF0]  }
0x1c2: {  	v49 =	vadd.f32 v13, v12;
	v13 =	vld [tilespmem:s30+$0xCD50]  }
0x1c3: {  	v15 =	vld [tilespmem:s30+$0x6950]  }
0x1c4: {  	v52 =	vadd.f32 v14, v47;
	v14 =	vld [tilespmem:s30+$0xCD60]  }
0x1c5: {  	v57 =	vadd.f32 v29, v28;
	v28 =	vld [tilespmem:s30+$0x6960]  }
0x1c6: {  	v54 =	vadd.f32 v24, v21;
	v24 =	vld [tilespmem:s30+$0x69C0]  }
0x1c7: {  	v58 =	vadd.f32 v32, v31;
	v31 =	vld [tilespmem:s30+$0xCD70]  }
0x1c8: {  	v32 =	vld [tilespmem:s30+$0xCDD0]  }
0x1c9: {  	v59 =	vadd.f32 v34, v33;
	v33 =	vld [tilespmem:s30+$0x69D0]  }
0x1ca: {  	v34 =	vld [tilespmem:s30+$0x6970]  }
0x1cb: {  	v29 =	vld [tilespmem:s30+$0xCDE0]  }
0x1cc: {  	v35 =	vadd.f32 v36, v35;
	v36 =	vld [tilespmem:s30+$0x69E0]  }
0x1cd: {  	v61 =	vadd.f32 v40, v39;
	v39 =	vld [tilespmem:s30+$0xCE40]  }
0x1ce: {  	v40 =	vld [tilespmem:s30+$0xCDF0]  }
0x1cf: {  	v62 =	vadd.f32 v42, v41;
	v41 =	vld [tilespmem:s30+$0xCE50]  }
0x1d0: {  	v42 =	vld [tilespmem:s30+$0x6A50]  }
0x1d1: {  	v46 =	vld [tilespmem:s30+$0x6A80]  }
0x1d2: {  	v47 =	vld [tilespmem:s30+$0xCE90]  }
0x1d3: {  	v12 =	vadd.f32 v51, v50;
	v50 =	vld [tilespmem:s30+$0x6AA0]  }
0x1d4: {  	v51 =	vld [tilespmem:s30+$0x6AB0]  }
0x1d5: {  	v37 =	vadd.f32 v38, v37;
	v38 =	vadd.f32 v43, v60;
	v43 =	vld [tilespmem:s30+$0x6A60]  }
0x1d6: {  	v21 =	vadd.f32 v56, v55;
	v55 =	vld [tilespmem:s30+$0x6B00]  }
0x1d7: {  	v56 =	vld [tilespmem:s30+$0xCF10]  }
0x1d8: {  	v18 =	vadd.f32 v19, v18;
	v19 =	vld [tilespmem:s30+$0x6B30]  }
0x1d9: {  	v16 =	vadd.f32 v25, v16;
	v25 =	vld [tilespmem:s30+$0xCEF0]  }
0x1da: {  	v22 =	vadd.f32 v23, v22;
	v23 =	vld [tilespmem:s30+$0xCC00]  }
0x1db: {  	[tilespmem:s30+$0x13080] =	vst v8;
	v8 =	vld [tilespmem:s30+$0xCCD0]  }
0x1dc: {  	[tilespmem:s30+$0x13030] =	vst v6;
	v6 =	vld [tilespmem:s30+$0xCCE0]  }
0x1dd: {  	[tilespmem:s30+$0x13100] =	vst v12;
	v12 =	vld [tilespmem:s30+$0x6940]  }
0x1de: {  	[tilespmem:s30+$0x13180] =	vst v21;
	v21 =	vld [tilespmem:s30+$0xCDC0]  }
0x1df: {  	[tilespmem:s30+$0x131B0] =	vst v35;
	v35 =	vld [tilespmem:s30+$0x6A40]  }
0x1e0: {  	[tilespmem:s30+$0x13200] =	vst v37;
	v37 =	vld [tilespmem:s30+$0xCE60]  }
0x1e1: {  	[tilespmem:s30+$0x13090] =	vst v48;
	v48 =	vld [tilespmem:s30+$0x6A90]  }
0x1e2: {  	[tilespmem:s30+$0x130A0] =	vst v49;
	v49 =	vld [tilespmem:s30+$0xCEA0]  }
0x1e3: {  	[tilespmem:s30+$0x13230] =	vst v38;
	v38 =	vld [tilespmem:s30+$0x6AC0]  }
0x1e4: {  	[tilespmem:s30+$0x130B0] =	vst v52;
	v52 =	vld [tilespmem:s30+$0x6A70]  }
0x1e5: {  	[tilespmem:s30+$0x13110] =	vst v53;
	v53 =	vld [tilespmem:s30+$0x6AE0]  }
0x1e6: {  	[tilespmem:s30+$0x13120] =	vst v54;
	v54 =	vld [tilespmem:s30+$0xCF00]  }
0x1e7: {  	[tilespmem:s30+$0x13130] =	vst v57;
	v57 =	vld [tilespmem:s30+$0x6B10]  }
0x1e8: {  	[tilespmem:s30+$0x13220] =	vst v62;
	v62 =	vld [tilespmem:s30+$0xCF20]  }
0x1e9: {  	[tilespmem:s30+$0x13040] =	vst v22;
	v22 =	vld [tilespmem:s30+$0xCF40]  }
0x1ea: {  	[tilespmem:s30+$0x13060] =	vst v16;
	v16 =	vld [tilespmem:s30+$0xCF50]  }
0x1eb: {  	[tilespmem:s30+$0x13050] =	vst v18;
	v18 =	vld [tilespmem:s30+$0xCF60]  }
0x1ec: {  	v45 =	vadd.f32 v46, v45;
	v46 =	vadd.f32 v51, v63;
	v63 =	vld [tilespmem:s30+$0x6B20]  }
0x1ed: {  	v51 =	vld [tilespmem:s30+$0xCFB0]  }
0x1ee: {  	v7 =	vadd.f32 v10, v7;
	v10 =	vld [tilespmem:s30+$0xCFD0]  }
0x1ef: {  	v13 =	vadd.f32 v15, v13;
	v15 =	vld [tilespmem:s30+$0xD030]  }
0x1f0: {  	[tilespmem:s30+$0x13190] =	vst v58;
	v42 =	vadd.f32 v42, v41;
	v41 =	vld [tilespmem:s30+$0x6C90]  }
0x1f1: {  	[tilespmem:s30+$0x131A0] =	vst v59;
	v60 =	vadd.f32 v48, v47;
	v47 =	vld [tilespmem:s30+$0xCEC0]  }
0x1f2: {  	[tilespmem:s30+$0x13210] =	vst v61;
	v48 =	vld [tilespmem:s30+$0xCE70]  }
0x1f3: {  	[tilespmem:s30+$0x13280] =	vst v45;
	v61 =	vadd.f32 v50, v49;
	v49 =	vld [tilespmem:s30+$0xCED0]  }
0x1f4: {  	v50 =	vld [tilespmem:s30+$0x6AD0];
	[tilespmem:s30+$0x132B0] =	vst v46  }
0x1f5: {  	v45 =	vld [tilespmem:s30+$0xCEE0];
	[tilespmem:s30+$0x130C0] =	vst v7  }
0x1f6: {  	v4 =	vadd.f32 v4, v23;
	v58 =	vadd.f32 v55, v54;
	v54 =	vld [tilespmem:s30+$0xCF30];
	[tilespmem:s30+$0x13150] =	vst v13  }
0x1f7: {  	v55 =	vld [tilespmem:s30+$0xCF90];
	[tilespmem:s30+$0x13250] =	vst v42  }
0x1f8: {  	v59 =	vadd.f32 v57, v56;
	v56 =	vld [tilespmem:s30+$0x6B90];
	[tilespmem:s30+$0x13000] =	vst v4  }
0x1f9: {  	v7 =	vld [tilespmem:s30+$0xCF70];
	[tilespmem:s30+$0x13290] =	vst v60  }
0x1fa: {  	v9 =	vadd.f32 v12, v9;
	v12 =	vld [tilespmem:s30+$0x6BD0];
	[tilespmem:s30+$0x132A0] =	vst v61  }
0x1fb: {  	v6 =	vadd.f32 v17, v6;
	v57 =	vadd.f32 v28, v14;
	v14 =	vld [tilespmem:s30+$0xCFE0];
	[tilespmem:s30+$0x13300] =	vst v58  }
0x1fc: {  	v60 =	vadd.f32 v27, v26;
	v26 =	vld [tilespmem:s30+$0x6B40];
	[tilespmem:s30+$0x13310] =	vst v59  }
0x1fd: {  	v27 =	vld [tilespmem:s30+$0x6AF0];
	[tilespmem:s30+$0x130E0] =	vst v6  }
0x1fe: {  	v5 =	vadd.f32 v5, v16;
	v6 =	vld [tilespmem:s30+$0x6B70];
	[tilespmem:s30+$0x13140] =	vst v9  }
0x1ff: {  	v59 =	vld [tilespmem:s30+$0xD000];
	[tilespmem:s30+$0x13160] =	vst v57  }
0x200: {  	v58 =	vadd.f32 v34, v31;
	v34 =	vld [tilespmem:s30+$0xD020];
	[tilespmem:s30+$0x13350] =	vst v5  }
0x201: {  	v31 =	vadd.f32 v36, v29;
	v36 =	vadd.f32 v35, v39;
	v39 =	vld [tilespmem:s30+$0x6C20];
	[tilespmem:s30+$0x13070] =	vst v60  }
0x202: {  	v35 =	vld [tilespmem:s30+$0xD060];
	[tilespmem:s30+$0x13170] =	vst v58  }
0x203: {  	v61 =	vadd.f32 v63, v62;
	v62 =	vld [tilespmem:s30+$0xCF80];
	[tilespmem:s30+$0x131E0] =	vst v31  }
0x204: {  	v63 =	vld [tilespmem:s30+$0x6B80];
	[tilespmem:s30+$0x13240] =	vst v36;
	v57 =	vadd.f32 v52, v48  }
0x205: {  	v60 =	vld [tilespmem:s30+$0xCFA0];
	[tilespmem:s30+$0x13320] =	vst v61;
	v10 =	vadd.f32 v12, v10  }
0x206: {  	v58 =	vld [tilespmem:s30+$0xCFF0];
	[tilespmem:s30+$0x13270] =	vst v57;
	v25 =	vadd.f32 v27, v25  }
0x207: {  	v36 =	vld [tilespmem:s30+$0x6C60];
	v22 =	vadd.f32 v26, v22;
	[tilespmem:s30+$0x133D0] =	vst v10  }
0x208: {  	v61 =	vld [tilespmem:s30+$0x6BA0];
	v42 =	vadd.f32 v6, v7;
	[tilespmem:s30+$0x132F0] =	vst v25  }
0x209: {  	v48 =	vld [tilespmem:s30+$0xD0B0];
	v46 =	vadd.f32 v63, v62;
	[tilespmem:s30+$0x13340] =	vst v22  }
0x20a: {  	v52 =	vld [tilespmem:s30+$0xD0C0];
	v62 =	vadd.f32 v11, v8;
	[tilespmem:s30+$0x13370] =	vst v42  }
0x20b: {  	v57 =	vld [tilespmem:s30+$0xCC10];
	v63 =	vadd.f32 v19, v54;
	[tilespmem:s30+$0x13380] =	vst v46  }
0x20c: {  	v8 =	vld [tilespmem:s30+$0x6BB0];
	v54 =	vadd.f32 v56, v55;
	[tilespmem:s30+$0x130D0] =	vst v62  }
0x20d: {  	v19 =	vld [tilespmem:s30+$0x6B60];
	v55 =	vadd.f32 v30, v20;
	[tilespmem:s30+$0x13330] =	vst v63  }
0x20e: {  	v11 =	vld [tilespmem:s30+$0x6BC0];
	[tilespmem:s30+$0x13390] =	vst v54;
	v56 =	vadd.f32 v61, v60  }
0x20f: {  	v20 =	vld [tilespmem:s30+$0xD040];
	[tilespmem:s30+$0x130F0] =	vst v55;
	v60 =	vadd.f32 v24, v21  }
0x210: {  	v61 =	vld [tilespmem:s30+$0x6C00];
	v62 =	vadd.f32 v33, v32;
	[tilespmem:s30+$0x133A0] =	vst v56  }
0x211: {  	v63 =	vld [tilespmem:s30+$0xD010];
	v33 =	vadd.f32 v44, v40;
	[tilespmem:s30+$0x131C0] =	vst v60  }
0x212: {  	v32 =	vld [tilespmem:s30+$0x6C10];
	v3 =	vadd.f32 v3, v52;
	[tilespmem:s30+$0x131D0] =	vst v62  }
0x213: {  	v46 =	vld [tilespmem:s30+$0xCFC0];
	[tilespmem:s30+$0x131F0] =	vst v33;
	v56 =	vadd.f32 v43, v37  }
0x214: {  	v44 =	vld [tilespmem:s30+$0x6C30];
	v2 =	vadd.f32 v2, v57;
	[tilespmem:s30+$0x134C0] =	vst v3  }
0x215: {  	v54 =	vld [tilespmem:s30+$0x6BE0];
	v8 =	vadd.f32 v8, v51;
	[tilespmem:s30+$0x13260] =	vst v56  }
0x216: {  	v60 =	vld [tilespmem:s30+$0xD050];
	[tilespmem:s30+$0x13010] =	vst v2;
	v40 =	vadd.f32 v61, v59  }
0x217: {  	v62 =	vld [tilespmem:s30+$0x6C50];
	v55 =	vadd.f32 v32, v63;
	[tilespmem:s30+$0x133B0] =	vst v8  }
0x218: {  	v33 =	vld [tilespmem:s30+$0x6BF0];
	v59 =	vadd.f32 v39, v34;
	[tilespmem:s30+$0x13400] =	vst v40  }
0x219: {  	v37 =	vld [tilespmem:s30+$0xD080];
	v61 =	vadd.f32 v38, v47;
	[tilespmem:s30+$0x13410] =	vst v55  }
0x21a: {  	v43 =	vld [tilespmem:s30+$0xD0A0];
	v63 =	vadd.f32 v50, v49;
	[tilespmem:s30+$0x13420] =	vst v59  }
0x21b: {  	v51 =	vld [tilespmem:s30+$0xD070];
	v34 =	vadd.f32 v53, v45;
	[tilespmem:s30+$0x132C0] =	vst v61  }
0x21c: {  	v56 =	vld [tilespmem:s30+$0x6CD0];
	v44 =	vadd.f32 v44, v15;
	[tilespmem:s30+$0x132D0] =	vst v63  }
0x21d: {  	v8 =	vld [tilespmem:s30+$0x6C40];
	v11 =	vadd.f32 v11, v46;
	[tilespmem:s30+$0x132E0] =	vst v34  }
0x21e: {  	v38 =	vld [tilespmem:s30+$0x6C80];
	v53 =	vadd.f32 v54, v14;
	[tilespmem:s30+$0x13430] =	vst v44  }
0x21f: {  	v39 =	vld [tilespmem:s30+$0xD090];
	v40 =	vadd.f32 v19, v18;
	[tilespmem:s30+$0x133C0] =	vst v11  }
0x220: {  	v45 =	vld [tilespmem:s30+$0x6CA0];
	[tilespmem:s30+$0x133E0] =	vst v53;
	v9 =	vadd.f32 v33, v58  }
0x221: {  	v49 =	vld [tilespmem:s30+$0x6CB0];
	v59 =	vadd.f32 v62, v60;
	[tilespmem:s30+$0x13360] =	vst v40  }
0x222: {  	v54 =	vld [tilespmem:s30+$0x6C70];
	v61 =	vadd.f32 v36, v35;
	[tilespmem:s30+$0x133F0] =	vst v9  }
0x223: {  	v55 =	vld [tilespmem:s30+$0xD0D0];
	[tilespmem:s30+$0x13450] =	vst v59;
	v47 =	vadd.f32 v38, v37  }
0x224: {  	v58 =	vld [tilespmem:s30+$0xD0E0];
	[tilespmem:s30+$0x13460] =	vst v61;
	v50 =	vadd.f32 v41, v39  }
0x225: {  	v60 =	vld [tilespmem:s30+$0x6CE0];
	v6 =	vadd.f32 v45, v43;
	[tilespmem:s30+$0x13480] =	vst v47  }
0x226: {  	v62 =	vld [tilespmem:s30+$0xD0F0];
	v8 =	vadd.f32 v8, v20;
	[tilespmem:s30+$0x13490] =	vst v50  }
0x227: {  	v63 =	vld [tilespmem:s30+$0xCC20];
	v5 =	vadd.f32 v49, v48;
	[tilespmem:s30+$0x134A0] =	vst v6  }
0x228: {  	v4 =	vadd.f32 v54, v51;
	[tilespmem:s30+$0x13440] =	vst v8  }
0x229: {  	[tilespmem:s30+$0x134B0] =	vst v5;
	v3 =	vadd.f32 v56, v55  }
0x22a: {  	[tilespmem:s30+$0x13470] =	vst v4;
	v2 =	vadd.f32 v60, v58  }
0x22b: {  	[tilespmem:s30+$0x134D0] =	vst v3;
	v3 =	vadd.f32 v0, v62  }
0x22c: {  	[tilespmem:s30+$0x134E0] =	vst v2;
	v0 =	vadd.f32 v1, v63  }
0x22d: {  	s1 =	simm.s32 $0xA;
	[tilespmem:s30+$0x134F0] =	vst v3  }
.LBB2_5:
0x22e: {  	p0 =	slt.u32 s1, $0x5A;
	[tilespmem:s30+$0x13020] =	vst v0;
	s30 =	sshll.u32 s1, $0x7;
	s1 =	sadd.s32 $0xA, s1  }
0x22f: {  	v2 =	vld [tilespmem:s30+$0x6810]  }
0x230: {  	v0 =	vld [tilespmem:s30+$0x6CF0]  }
0x231: {  	v4 =	vld [tilespmem:s30+$0x6800]  }
0x232: {  	v3 =	vld [tilespmem:s30+$0x6CC0]  }
0x233: {  	v5 =	vld [tilespmem:s30+$0x6B50]  }
0x234: {  	v1 =	vld [tilespmem:s30+$0x6820]  }
0x235: {  	v6 =	vld [tilespmem:s30+$0xCC30]  }
0x236: {  	v7 =	vld [tilespmem:s30+$0x6830]  }
0x237: {  	v8 =	vld [tilespmem:s30+$0xCC40]  }
0x238: {  	v9 =	vld [tilespmem:s30+$0x6840]  }
0x239: {  	v10 =	vld [tilespmem:s30+$0xCC50]  }
0x23a: {  	v11 =	vld [tilespmem:s30+$0x6850]  }
0x23b: {  	v6 =	vadd.f32 v7, v6;
	v7 =	vld [tilespmem:s30+$0xCC60]  }
0x23c: {  	v12 =	vld [tilespmem:s30+$0x6860]  }
0x23d: {  	[tilespmem:s30+$0x13030] =	vst v6;
	v6 =	vadd.f32 v9, v8;
	v8 =	vld [tilespmem:s30+$0xCC70]  }
0x23e: {  	v9 =	vld [tilespmem:s30+$0x6870]  }
0x23f: {  	[tilespmem:s30+$0x13040] =	vst v6;
	v6 =	vadd.f32 v11, v10;
	v10 =	vld [tilespmem:s30+$0xCC80]  }
0x240: {  	v11 =	vld [tilespmem:s30+$0x6880]  }
0x241: {  	[tilespmem:s30+$0x13050] =	vst v6;
	v6 =	vadd.f32 v12, v7;
	v7 =	vld [tilespmem:s30+$0xCC90]  }
0x242: {  	v12 =	vld [tilespmem:s30+$0x6890]  }
0x243: {  	[tilespmem:s30+$0x13060] =	vst v6;
	v6 =	vadd.f32 v9, v8;
	v8 =	vld [tilespmem:s30+$0xCCA0]  }
0x244: {  	v9 =	vld [tilespmem:s30+$0x68A0]  }
0x245: {  	[tilespmem:s30+$0x13070] =	vst v6;
	v6 =	vadd.f32 v11, v10;
	v10 =	vld [tilespmem:s30+$0xCCB0]  }
0x246: {  	v11 =	vld [tilespmem:s30+$0x68B0]  }
0x247: {  	[tilespmem:s30+$0x13080] =	vst v6;
	v6 =	vadd.f32 v12, v7;
	v7 =	vld [tilespmem:s30+$0xCCC0]  }
0x248: {  	v12 =	vld [tilespmem:s30+$0x68C0]  }
0x249: {  	[tilespmem:s30+$0x13090] =	vst v6;
	v6 =	vadd.f32 v9, v8;
	v8 =	vld [tilespmem:s30+$0xCCD0]  }
0x24a: {  	v9 =	vld [tilespmem:s30+$0x68D0]  }
0x24b: {  	[tilespmem:s30+$0x130A0] =	vst v6;
	v6 =	vadd.f32 v11, v10;
	v10 =	vld [tilespmem:s30+$0xCCE0]  }
0x24c: {  	v11 =	vld [tilespmem:s30+$0x68E0]  }
0x24d: {  	[tilespmem:s30+$0x130B0] =	vst v6;
	v6 =	vadd.f32 v12, v7;
	v7 =	vld [tilespmem:s30+$0xCCF0]  }
0x24e: {  	v12 =	vld [tilespmem:s30+$0x68F0]  }
0x24f: {  	[tilespmem:s30+$0x130C0] =	vst v6;
	v6 =	vadd.f32 v9, v8;
	v8 =	vld [tilespmem:s30+$0xCD00]  }
0x250: {  	v9 =	vld [tilespmem:s30+$0x6900]  }
0x251: {  	[tilespmem:s30+$0x130D0] =	vst v6;
	v6 =	vadd.f32 v11, v10;
	v10 =	vld [tilespmem:s30+$0xCD10]  }
0x252: {  	v11 =	vld [tilespmem:s30+$0x6910]  }
0x253: {  	[tilespmem:s30+$0x130E0] =	vst v6;
	v6 =	vadd.f32 v12, v7;
	v7 =	vld [tilespmem:s30+$0xCD20]  }
0x254: {  	v12 =	vld [tilespmem:s30+$0x6920]  }
0x255: {  	[tilespmem:s30+$0x130F0] =	vst v6;
	v6 =	vadd.f32 v9, v8;
	v8 =	vld [tilespmem:s30+$0xCD30]  }
0x256: {  	v9 =	vld [tilespmem:s30+$0x6930]  }
0x257: {  	[tilespmem:s30+$0x13100] =	vst v6;
	v6 =	vadd.f32 v11, v10;
	v10 =	vld [tilespmem:s30+$0xCD40]  }
0x258: {  	v11 =	vld [tilespmem:s30+$0x6940]  }
0x259: {  	[tilespmem:s30+$0x13110] =	vst v6;
	v6 =	vadd.f32 v12, v7;
	v7 =	vld [tilespmem:s30+$0xCD50]  }
0x25a: {  	v12 =	vld [tilespmem:s30+$0x6950]  }
0x25b: {  	[tilespmem:s30+$0x13120] =	vst v6;
	v6 =	vadd.f32 v9, v8;
	v8 =	vld [tilespmem:s30+$0xCD60]  }
0x25c: {  	v9 =	vld [tilespmem:s30+$0x6960]  }
0x25d: {  	[tilespmem:s30+$0x13130] =	vst v6;
	v6 =	vadd.f32 v11, v10;
	v10 =	vld [tilespmem:s30+$0xCD70]  }
0x25e: {  	v11 =	vld [tilespmem:s30+$0x6970]  }
0x25f: {  	[tilespmem:s30+$0x13140] =	vst v6;
	v6 =	vadd.f32 v12, v7;
	v7 =	vld [tilespmem:s30+$0xCD80]  }
0x260: {  	v12 =	vld [tilespmem:s30+$0x6980]  }
0x261: {  	[tilespmem:s30+$0x13150] =	vst v6;
	v6 =	vadd.f32 v9, v8;
	v8 =	vld [tilespmem:s30+$0xCD90]  }
0x262: {  	v9 =	vld [tilespmem:s30+$0x6990]  }
0x263: {  	[tilespmem:s30+$0x13160] =	vst v6;
	v6 =	vadd.f32 v11, v10;
	v10 =	vld [tilespmem:s30+$0xCDA0]  }
0x264: {  	v11 =	vld [tilespmem:s30+$0x69A0]  }
0x265: {  	[tilespmem:s30+$0x13170] =	vst v6;
	v6 =	vadd.f32 v12, v7;
	v7 =	vld [tilespmem:s30+$0xCDB0]  }
0x266: {  	v12 =	vld [tilespmem:s30+$0x69B0]  }
0x267: {  	[tilespmem:s30+$0x13180] =	vst v6;
	v6 =	vadd.f32 v9, v8;
	v8 =	vld [tilespmem:s30+$0xCDC0]  }
0x268: {  	v9 =	vld [tilespmem:s30+$0x69C0]  }
0x269: {  	[tilespmem:s30+$0x13190] =	vst v6;
	v6 =	vadd.f32 v11, v10;
	v10 =	vld [tilespmem:s30+$0xCDD0]  }
0x26a: {  	v11 =	vld [tilespmem:s30+$0x69D0]  }
0x26b: {  	[tilespmem:s30+$0x131A0] =	vst v6;
	v6 =	vadd.f32 v12, v7;
	v7 =	vld [tilespmem:s30+$0xCDE0]  }
0x26c: {  	v12 =	vld [tilespmem:s30+$0x69E0]  }
0x26d: {  	[tilespmem:s30+$0x131B0] =	vst v6;
	v6 =	vadd.f32 v9, v8;
	v8 =	vld [tilespmem:s30+$0xCDF0]  }
0x26e: {  	v9 =	vld [tilespmem:s30+$0x69F0]  }
0x26f: {  	[tilespmem:s30+$0x131C0] =	vst v6;
	v6 =	vadd.f32 v11, v10;
	v10 =	vld [tilespmem:s30+$0xCE00]  }
0x270: {  	v11 =	vld [tilespmem:s30+$0x6A00]  }
0x271: {  	[tilespmem:s30+$0x131D0] =	vst v6;
	v6 =	vadd.f32 v12, v7;
	v7 =	vld [tilespmem:s30+$0xCE10]  }
0x272: {  	v12 =	vld [tilespmem:s30+$0x6A10]  }
0x273: {  	[tilespmem:s30+$0x131E0] =	vst v6;
	v6 =	vadd.f32 v9, v8;
	v8 =	vld [tilespmem:s30+$0xCE20]  }
0x274: {  	v9 =	vld [tilespmem:s30+$0x6A20]  }
0x275: {  	[tilespmem:s30+$0x131F0] =	vst v6;
	v6 =	vadd.f32 v11, v10;
	v10 =	vld [tilespmem:s30+$0xCE30]  }
0x276: {  	v11 =	vld [tilespmem:s30+$0x6A30]  }
0x277: {  	[tilespmem:s30+$0x13200] =	vst v6;
	v6 =	vadd.f32 v12, v7;
	v7 =	vld [tilespmem:s30+$0xCE40]  }
0x278: {  	v12 =	vld [tilespmem:s30+$0x6A40]  }
0x279: {  	[tilespmem:s30+$0x13210] =	vst v6;
	v6 =	vadd.f32 v9, v8;
	v8 =	vld [tilespmem:s30+$0xCE50]  }
0x27a: {  	v9 =	vld [tilespmem:s30+$0x6A50]  }
0x27b: {  	[tilespmem:s30+$0x13220] =	vst v6;
	v6 =	vadd.f32 v11, v10;
	v10 =	vld [tilespmem:s30+$0xCE60]  }
0x27c: {  	v11 =	vld [tilespmem:s30+$0x6A60]  }
0x27d: {  	[tilespmem:s30+$0x13230] =	vst v6;
	v6 =	vadd.f32 v12, v7;
	v7 =	vld [tilespmem:s30+$0xCE70]  }
0x27e: {  	v12 =	vld [tilespmem:s30+$0x6A70]  }
0x27f: {  	[tilespmem:s30+$0x13240] =	vst v6;
	v6 =	vadd.f32 v9, v8;
	v8 =	vld [tilespmem:s30+$0xCE80]  }
0x280: {  	v9 =	vld [tilespmem:s30+$0x6A80]  }
0x281: {  	[tilespmem:s30+$0x13250] =	vst v6;
	v6 =	vadd.f32 v11, v10;
	v10 =	vld [tilespmem:s30+$0xCE90]  }
0x282: {  	v11 =	vld [tilespmem:s30+$0x6A90]  }
0x283: {  	[tilespmem:s30+$0x13260] =	vst v6;
	v6 =	vadd.f32 v12, v7;
	v7 =	vld [tilespmem:s30+$0xCEA0]  }
0x284: {  	v12 =	vld [tilespmem:s30+$0x6AA0]  }
0x285: {  	[tilespmem:s30+$0x13270] =	vst v6;
	v6 =	vadd.f32 v9, v8;
	v8 =	vld [tilespmem:s30+$0xCEB0]  }
0x286: {  	v9 =	vld [tilespmem:s30+$0x6AB0]  }
0x287: {  	[tilespmem:s30+$0x13280] =	vst v6;
	v6 =	vadd.f32 v11, v10;
	v10 =	vld [tilespmem:s30+$0xCEC0]  }
0x288: {  	v11 =	vld [tilespmem:s30+$0x6AC0]  }
0x289: {  	[tilespmem:s30+$0x13290] =	vst v6;
	v6 =	vadd.f32 v12, v7;
	v7 =	vld [tilespmem:s30+$0xCED0]  }
0x28a: {  	v12 =	vld [tilespmem:s30+$0x6AD0]  }
0x28b: {  	[tilespmem:s30+$0x132A0] =	vst v6;
	v6 =	vadd.f32 v9, v8;
	v8 =	vld [tilespmem:s30+$0xCEE0]  }
0x28c: {  	v9 =	vld [tilespmem:s30+$0x6AE0]  }
0x28d: {  	[tilespmem:s30+$0x132B0] =	vst v6;
	v6 =	vadd.f32 v11, v10;
	v10 =	vld [tilespmem:s30+$0xCEF0]  }
0x28e: {  	v11 =	vld [tilespmem:s30+$0x6AF0]  }
0x28f: {  	[tilespmem:s30+$0x132C0] =	vst v6;
	v6 =	vadd.f32 v12, v7;
	v7 =	vld [tilespmem:s30+$0xCF00]  }
0x290: {  	v12 =	vld [tilespmem:s30+$0x6B00]  }
0x291: {  	[tilespmem:s30+$0x132D0] =	vst v6;
	v6 =	vadd.f32 v9, v8;
	v8 =	vld [tilespmem:s30+$0xCF10]  }
0x292: {  	v9 =	vld [tilespmem:s30+$0x6B10]  }
0x293: {  	[tilespmem:s30+$0x132E0] =	vst v6;
	v6 =	vadd.f32 v11, v10;
	v10 =	vld [tilespmem:s30+$0xCF20]  }
0x294: {  	v11 =	vld [tilespmem:s30+$0x6B20]  }
0x295: {  	[tilespmem:s30+$0x132F0] =	vst v6;
	v6 =	vadd.f32 v12, v7;
	v7 =	vld [tilespmem:s30+$0xCF30]  }
0x296: {  	v12 =	vld [tilespmem:s30+$0x6B30]  }
0x297: {  	[tilespmem:s30+$0x13300] =	vst v6;
	v6 =	vadd.f32 v9, v8;
	v8 =	vld [tilespmem:s30+$0xCF40]  }
0x298: {  	v9 =	vld [tilespmem:s30+$0x6B40]  }
0x299: {  	[tilespmem:s30+$0x13310] =	vst v6;
	v6 =	vadd.f32 v11, v10;
	v10 =	vld [tilespmem:s30+$0xCF50]  }
0x29a: {  	v11 =	vld [tilespmem:s30+$0xCC00]  }
0x29b: {  	[tilespmem:s30+$0x13320] =	vst v6;
	v6 =	vadd.f32 v12, v7;
	v7 =	vld [tilespmem:s30+$0xCF60]  }
0x29c: {  	v12 =	vld [tilespmem:s30+$0x6B60]  }
0x29d: {  	[tilespmem:s30+$0x13330] =	vst v6;
	v6 =	vadd.f32 v9, v8;
	v8 =	vld [tilespmem:s30+$0xCF70]  }
0x29e: {  	v5 =	vadd.f32 v5, v10;
	v9 =	vld [tilespmem:s30+$0x6B70]  }
0x29f: {  	v4 =	vadd.f32 v4, v11;
	[tilespmem:s30+$0x13340] =	vst v6;
	v6 =	vld [tilespmem:s30+$0xCF80]  }
0x2a0: {  	[tilespmem:s30+$0x13350] =	vst v5;
	v5 =	vld [tilespmem:s30+$0x6B80]  }
0x2a1: {  	[tilespmem:s30+$0x13000] =	vst v4;
	v4 =	vadd.f32 v12, v7;
	v7 =	vld [tilespmem:s30+$0xCF90]  }
0x2a2: {  	v10 =	vld [tilespmem:s30+$0x6B90]  }
0x2a3: {  	[tilespmem:s30+$0x13360] =	vst v4;
	v4 =	vadd.f32 v9, v8;
	v8 =	vld [tilespmem:s30+$0xCFA0]  }
0x2a4: {  	v9 =	vld [tilespmem:s30+$0x6BA0]  }
0x2a5: {  	[tilespmem:s30+$0x13370] =	vst v4;
	v4 =	vadd.f32 v5, v6;
	v5 =	vld [tilespmem:s30+$0xCFB0]  }
0x2a6: {  	v6 =	vld [tilespmem:s30+$0x6BB0]  }
0x2a7: {  	[tilespmem:s30+$0x13380] =	vst v4;
	v4 =	vadd.f32 v10, v7;
	v7 =	vld [tilespmem:s30+$0xCFC0]  }
0x2a8: {  	v10 =	vld [tilespmem:s30+$0x6BC0]  }
0x2a9: {  	[tilespmem:s30+$0x13390] =	vst v4;
	v4 =	vadd.f32 v9, v8;
	v8 =	vld [tilespmem:s30+$0xCFD0]  }
0x2aa: {  	v9 =	vld [tilespmem:s30+$0x6BD0]  }
0x2ab: {  	[tilespmem:s30+$0x133A0] =	vst v4;
	v4 =	vadd.f32 v6, v5;
	v5 =	vld [tilespmem:s30+$0xCFE0]  }
0x2ac: {  	v6 =	vld [tilespmem:s30+$0x6BE0]  }
0x2ad: {  	[tilespmem:s30+$0x133B0] =	vst v4;
	v4 =	vadd.f32 v10, v7;
	v7 =	vld [tilespmem:s30+$0xCFF0]  }
0x2ae: {  	v10 =	vld [tilespmem:s30+$0x6BF0]  }
0x2af: {  	[tilespmem:s30+$0x133C0] =	vst v4;
	v4 =	vadd.f32 v9, v8;
	v8 =	vld [tilespmem:s30+$0xD000]  }
0x2b0: {  	v9 =	vld [tilespmem:s30+$0x6C00]  }
0x2b1: {  	[tilespmem:s30+$0x133D0] =	vst v4;
	v4 =	vadd.f32 v6, v5;
	v5 =	vld [tilespmem:s30+$0xD010]  }
0x2b2: {  	v6 =	vld [tilespmem:s30+$0x6C10]  }
0x2b3: {  	[tilespmem:s30+$0x133E0] =	vst v4;
	v4 =	vadd.f32 v10, v7;
	v7 =	vld [tilespmem:s30+$0xD020]  }
0x2b4: {  	v10 =	vld [tilespmem:s30+$0x6C20]  }
0x2b5: {  	[tilespmem:s30+$0x133F0] =	vst v4;
	v4 =	vadd.f32 v9, v8;
	v8 =	vld [tilespmem:s30+$0xD030]  }
0x2b6: {  	v9 =	vld [tilespmem:s30+$0x6C30]  }
0x2b7: {  	[tilespmem:s30+$0x13400] =	vst v4;
	v4 =	vadd.f32 v6, v5;
	v5 =	vld [tilespmem:s30+$0xD040]  }
0x2b8: {  	v6 =	vld [tilespmem:s30+$0x6C40]  }
0x2b9: {  	[tilespmem:s30+$0x13410] =	vst v4;
	v4 =	vadd.f32 v10, v7;
	v7 =	vld [tilespmem:s30+$0xD050]  }
0x2ba: {  	v10 =	vld [tilespmem:s30+$0x6C50]  }
0x2bb: {  	[tilespmem:s30+$0x13420] =	vst v4;
	v4 =	vadd.f32 v9, v8;
	v8 =	vld [tilespmem:s30+$0xD060]  }
0x2bc: {  	v9 =	vld [tilespmem:s30+$0x6C60]  }
0x2bd: {  	[tilespmem:s30+$0x13430] =	vst v4;
	v4 =	vadd.f32 v6, v5;
	v5 =	vld [tilespmem:s30+$0xD070]  }
0x2be: {  	v6 =	vld [tilespmem:s30+$0x6C70]  }
0x2bf: {  	[tilespmem:s30+$0x13440] =	vst v4;
	v4 =	vadd.f32 v10, v7;
	v7 =	vld [tilespmem:s30+$0xD080]  }
0x2c0: {  	v10 =	vld [tilespmem:s30+$0x6C80]  }
0x2c1: {  	[tilespmem:s30+$0x13450] =	vst v4;
	v4 =	vadd.f32 v9, v8;
	v8 =	vld [tilespmem:s30+$0xD090]  }
0x2c2: {  	v9 =	vld [tilespmem:s30+$0x6C90]  }
0x2c3: {  	[tilespmem:s30+$0x13460] =	vst v4;
	v4 =	vadd.f32 v6, v5;
	v5 =	vld [tilespmem:s30+$0xD0A0]  }
0x2c4: {  	v6 =	vld [tilespmem:s30+$0x6CA0]  }
0x2c5: {  	[tilespmem:s30+$0x13470] =	vst v4;
	v4 =	vadd.f32 v10, v7;
	v7 =	vld [tilespmem:s30+$0xD0B0]  }
0x2c6: {  	v10 =	vld [tilespmem:s30+$0x6CB0]  }
0x2c7: {  	[tilespmem:s30+$0x13480] =	vst v4;
	v4 =	vadd.f32 v9, v8;
	v8 =	vld [tilespmem:s30+$0xD0C0]  }
0x2c8: {  	v9 =	vld [tilespmem:s30+$0xCC10]  }
0x2c9: {  	[tilespmem:s30+$0x13490] =	vst v4;
	v4 =	vadd.f32 v6, v5;
	v5 =	vld [tilespmem:s30+$0xD0D0]  }
0x2ca: {  	v6 =	vld [tilespmem:s30+$0x6CD0]  }
0x2cb: {  	[tilespmem:s30+$0x134A0] =	vst v4;
	v4 =	vadd.f32 v10, v7;
	v7 =	vld [tilespmem:s30+$0xD0E0]  }
0x2cc: {  	v3 =	vadd.f32 v3, v8;
	v8 =	vld [tilespmem:s30+$0x6CE0]  }
0x2cd: {  	v2 =	vadd.f32 v2, v9;
	[tilespmem:s30+$0x134B0] =	vst v4;
	v4 =	vld [tilespmem:s30+$0xD0F0]  }
0x2ce: {  	v9 =	vld [tilespmem:s30+$0xCC20];
	[tilespmem:s30+$0x134C0] =	vst v3  }
0x2cf: {  	[tilespmem:s30+$0x13010] =	vst v2;
	v2 =	vadd.f32 v6, v5  }
.Ltmp3:
0x2d0: {  	(pc) =	sbr.rel @p0 .LBB2_5-.Ltmp3, $4  }
0x2d1: {  	[tilespmem:s30+$0x134D0] =	vst v2;
	v2 =	vadd.f32 v8, v7  }
0x2d2: {  	v3 =	vadd.f32 v0, v4  }
0x2d3: {  	v0 =	vadd.f32 v1, v9;
	[tilespmem:s30+$0x134E0] =	vst v2  }
0x2d4: {  	[tilespmem:s30+$0x134F0] =	vst v3  }
.Ltmp4:
0x2d5: {  	s0 =	sadd.s32 s29, s8;
	(pc) =	sbr.rel @p1 .LBB2_8-.Ltmp4, $4  }
0x2d6: {  	s0 =	sshll.u32 s0, $0x4  }
0x2d7: {  	s0 =	sand.u32 $0x1FFFFFC0, s0  }
0x2d8: {  	[tilespmem:s30+$0x13020] =	vst v0;
	s0 =	sadd.s32 s2, s0  }
0x2d9: {  	[hbm4b:s0+s3] =	stream.linear.scatter [tilespmem:s23], [sflag:$0x4], $0x3200, $0x38;
	[tilespmem:$0x16200] =	vst v63  }
0x2da: {  	s0 =	smul.u32 $0x680, s28;
	_ =	sdelay $0x1  }
.Ltmp5:
0x2db: {  	s0 =	sshra.s32 s0, $0x2;
	(pc) =	sbr.rel .LBB2_2-.Ltmp5, $4  }
0x2dc: {  	s1 =	sadd.s32 $0x270, s0  }
0x2dd: {  	[tilespmem:s17], [sflag:$0x2] =	stream.indirect.gather [hbm4b:s5+s12], $0x40, s1, s12, $0xb8;
	[tilespmem:$0x16200] =	vst v63  }
0x2de: {  	s28 =	sadd.s32 $0x1, s28;
	s0 =	sadd.s32 $0x2D8, s0  }
0x2df: {  	[tilespmem:s19], [sflag:$0x2] =	stream.indirect.gather [hbm4b:s5+s12], $0x40, s0, s12, $0xb8;
	[tilespmem:$0x16200] =	vst v63  }
.LBB2_9:
0x2e0: {  	_ =	sfence.sel $0x180000  }
0x2e1: {  	[bflag:$0x0] =	sbarrier.arrive $0xFFFF  }
0x2e2: {  	_ =	strace $0x90000047  }
0x2e3: {  	s0 =	stileid.u32;
	[bflag:$0x2] =	sbarrier.arrive $0xFFFF  }
0x2e4: {  	p0 =	sne.s32 s0, $0x0;
	s0 =	rddreg [dreg:$0x2]  }
0x2e5: {  	s0 =	sadd.s32 @!p0 $0x100000, s0  }
0x2e6: {  	[sflag:s0] =	ssyncadd.tile.s32 @!p0 $0x1;
	_ =	shalt  }
.Lfunc_end2:
_tile_overlayer_lowered:
.L_overlay_start_2:
0x2e7: {  	(tag) =	ssettag $0x2  }
0x2e8: {  	s0 =	rddreg [dreg:$0x0];
	s2 =	stileid.u32  }
0x2e9: {  	s1 =	rddreg [dreg:$0x1];
	p0 =	sne.s32 s2, $0x0  }
0x2ea: {  	s3 =	rddreg [dreg:$0x2];
	[bflag:$0x3] =	sbarrier.arrive $0xFFFF;
	s2 =	simm.s32 @!p0 $0x1C05  }
0x2eb: {  	[timem:s3], [sflag:s2] =	dma.local @!p0 [hbm:s0], s1  }
0x2ec: {  	s0 =	simm.s32 @!p0 $0x5  }
0x2ed: {  	_ =	swait.ge @!p0 [sflag:s0], s1  }
0x2ee: {  	s1 =	ssub.s32 @!p0 $0x0, s1;
	[sflag:s0] =	ssyncset.done @!p0 $0x0  }
0x2ef: {  	[sflag:s0] =	ssyncadd.s32 @!p0 s1  }
0x2f0: {  	[bflag:$0x3] =	sbarrier.arrive $0xFFFF  }
0x2f1: {  	_ =	shalt  }

</sc_bundles>
